<compile_context>
chip_gen: v7x
topology: tpu7x:2x2x1
jax: 0.10.2.dev20260603
libtpu: 0.0.44.dev20260713+nightly
codegen_flags: <defaults>
</compile_context>

<pallas_src>
import functools

import jax
import jax.numpy as jnp
from jax import lax
from jax.experimental import pallas as pl
from jax.experimental.pallas import tpu as pltpu
from jax.experimental.pallas import tpu_sc as plsc

B = 4096
V = 100000
NC = 2
NS = 16
NW = NC * NS
RPW = B // NW
L = 16
NG = RPW // L


def _sc_gather_partials(inp_t, tgt_flat):
    mesh = plsc.VectorSubcoreMesh(core_axis_name="c", subcore_axis_name="s")

    @functools.partial(
        pl.kernel,
        out_type=jax.ShapeDtypeStruct((NW * L,), jnp.float32),
        mesh=mesh,
        scratch_types=[
            pltpu.VMEM((RPW,), jnp.int32),
            pltpu.VMEM((RPW, RPW), jnp.float32),
            pltpu.VMEM((L,), jnp.float32),
            pltpu.SemaphoreType.DMA,
            pltpu.SemaphoreType.DMA,
            pltpu.SemaphoreType.DMA,
            pltpu.SemaphoreType.DMA,
            pltpu.SemaphoreType.DMA,
            pltpu.SemaphoreType.DMA,
        ],
    )
    def k(inp_hbm, tgt_hbm, out_hbm, tgt_v, val_v, stage_v, st0, st1, g0, g1, g2, g3):
        wid = lax.axis_index("s") * NC + lax.axis_index("c")
        base = wid * RPW
        half = RPW // 2
        quar = RPW // 4
        tcs = [
            pltpu.make_async_copy(
                tgt_hbm.at[pl.ds(base + h * half, half)],
                tgt_v.at[pl.ds(h * half, half)],
                s,
            )
            for h, s in enumerate([st0, st1])
        ]
        tcs[0].start()
        tcs[1].start()
        blk = pl.ds(pl.multiple_of(base, 128), RPW)
        gsem = [g0, g1, g2, g3]
        cps = [
            pltpu.make_async_copy(
                inp_hbm.at[tgt_v.at[pl.ds(q * quar, quar)], blk],
                val_v.at[pl.ds(q * quar, quar)],
                gsem[q],
            )
            for q in range(4)
        ]
        tcs[0].wait()
        cps[0].start()
        cps[1].start()
        tcs[1].wait()
        cps[2].start()
        cps[3].start()
        lanes = lax.iota(jnp.int32, L)

        def grp_body(g, acc):
            tch = tgt_v[pl.ds(g * L, L)]
            grp = jnp.zeros((L,), jnp.float32)
            for j in range(L):
                chunk = val_v[g * L + j, pl.ds(g * L, L)]
                grp = grp + jnp.where(lanes == j, chunk, 0.0)
            return acc + jnp.where(tch > 0, grp, 0.0)

        acc = jnp.zeros((L,), jnp.float32)
        for q in range(4):
            cps[q].wait()
            acc = plsc.parallel_loop(q * 2, q * 2 + 2, carry=acc)(grp_body)
        stage_v[...] = acc
        pltpu.sync_copy(stage_v, out_hbm.at[pl.ds(wid * L, L)])

    return k(inp_t, tgt_flat)


def _reduce_body(p_hbm, o_ref, p_v, sem):
    pltpu.async_copy(p_hbm, p_v, sem).wait()
    o_ref[...] = -jnp.sum(p_v[...]).reshape(1, 1)


def kernel(input, target):
    tgt = target.reshape(-1).astype(jnp.int32)
    partials = _sc_gather_partials(input.T, tgt)
    out = pl.pallas_call(
        _reduce_body,
        out_shape=jax.ShapeDtypeStruct((1, 1), jnp.float32),
        in_specs=[pl.BlockSpec(memory_space=pl.ANY)],
        scratch_shapes=[
            pltpu.VMEM((4, 128), jnp.float32),
            pltpu.SemaphoreType.DMA,
        ],
    )(partials.reshape(4, 128))
    return out[0, 0]

# --- scband reference (transcript-rebuilt; emitter-appended) ---
"""Pipeline reference for scband-lmcriterion-6468220748125 (READ-ONLY COPY).

The authoritative reference and input builder live on the scoring server;
editing this copy changes nothing except your own understanding.
"""

import jax, jax.numpy as jnp
import numpy as np

B = 4096
V = 100000

def setup_inputs(seed: int = 0) -> dict:
    key = jax.random.key(seed)
    k1, k2 = jax.random.split(key)
    inp = jax.random.normal(k1, (B, V), dtype=jnp.float32)
    target = jax.random.randint(k2, (B, 1), 0, V, dtype=jnp.int64) if jax.config.jax_enable_x64 else jax.random.randint(k2, (B, 1), 0, V).astype(jnp.int32)
    return {"input": inp, "target": target}

def reference(input, target):
    # torch.gather(input, 1, target) -> take_along_axis on axis 1
    logprob_select = jnp.take_along_axis(input, target, axis=1)
    # mask = target > 0; masked_select + sum == sum of masked entries
    mask = target > 0
    out = jnp.where(mask, logprob_select, 0.0)
    loss = -jnp.sum(out)
    return loss

if __name__ == "__main__":
    import jax
    _d = setup_inputs()
    print(jax.jit(kernel)(*tuple(_d.values())))

</pallas_src>

<mosaic_0001>
#map = affine_map<(d0, d1) -> (0, 0)>
#map1 = affine_map<(d0, d1) -> (0)>
module attributes {stable_mosaic.version = 14 : i64} {
  func.func @k(%arg0: i32, %arg1: i32, %arg2: memref<100000x4096xf32, #tpu.memory_space<hbm>>, %arg3: memref<4096xi32, #tpu.memory_space<hbm>>, %arg4: memref<512xf32, #tpu.memory_space<hbm>>, %arg5: memref<128xi32, #tpu.memory_space<vmem>>, %arg6: memref<128x128xf32, #tpu.memory_space<vmem>>, %arg7: memref<16xf32, #tpu.memory_space<vmem>>, %arg8: memref<!tpu.dma_semaphore, #tpu.memory_space<semaphore_mem>>, %arg9: memref<!tpu.dma_semaphore, #tpu.memory_space<semaphore_mem>>, %arg10: memref<!tpu.dma_semaphore, #tpu.memory_space<semaphore_mem>>, %arg11: memref<!tpu.dma_semaphore, #tpu.memory_space<semaphore_mem>>, %arg12: memref<!tpu.dma_semaphore, #tpu.memory_space<semaphore_mem>>, %arg13: memref<!tpu.dma_semaphore, #tpu.memory_space<semaphore_mem>>) attributes {dimension_semantics = [#tpu.dimension_semantics<core_parallel>, #tpu.dimension_semantics<subcore_parallel>], iteration_bounds = array<i64: 2, 16>, scalar_prefetch = 0 : i64, scratch_operands = 9 : i64, tpu.core_type = #tpu.core_type<sc_vector_subcore>, window_params = [{transform_indices = #map}, {transform_indices = #map1}, {transform_indices = #map1}]} {
    %mul3A = arith.constant 2 : i32
    %mul3A_0 = arith.muli %arg1, %mul3A : i32
    %add3A = arith.addi %mul3A_0, %arg0 : i32
    %mul3A_1 = arith.constant 128 : i32
    %mul3A_2 = arith.muli %add3A, %mul3A_1 : i32
    %add3A_3 = arith.constant 0 : i32
    %add3A_4 = arith.addi %mul3A_2, %add3A_3 : i32
    %add3A_5 = arith.constant 64 : i32
    %add3A_6 = arith.addi %mul3A_2, %add3A_5 : i32
    %dma_start3A = arith.constant 0 : i32
    %dma_start3A_7 = tpu.memref_slice %arg5[%dma_start3A] : memref<128xi32, #tpu.memory_space<vmem>> -> memref<64xi32, #tpu.memory_space<vmem>>
    %dma_start3A_8 = tpu.memref_slice %arg3[%add3A_4] : memref<4096xi32, #tpu.memory_space<hbm>> -> memref<64xi32, #tpu.memory_space<hbm>>
    %dma_start3A_9 = arith.constant 0 : i32
    %dma_start3A_10 = tpu.memref_slice %arg5[%dma_start3A_9] : memref<128xi32, #tpu.memory_space<vmem>> -> memref<64xi32, #tpu.memory_space<vmem>>
    %dma_start3A_11 = tpu.memref_slice %arg3[%add3A_4] : memref<4096xi32, #tpu.memory_space<hbm>> -> memref<64xi32, #tpu.memory_space<hbm>>
    tpu.enqueue_dma source(%dma_start3A_11 : memref<64xi32, #tpu.memory_space<hbm>>) target(%dma_start3A_10 : memref<64xi32, #tpu.memory_space<vmem>>) target_semaphore(%arg8 : memref<!tpu.dma_semaphore, #tpu.memory_space<semaphore_mem>>)
    %dma_start3A_12 = arith.constant 64 : i32
    %dma_start3A_13 = tpu.memref_slice %arg5[%dma_start3A_12] : memref<128xi32, #tpu.memory_space<vmem>> -> memref<64xi32, #tpu.memory_space<vmem>>
    %dma_start3A_14 = tpu.memref_slice %arg3[%add3A_6] : memref<4096xi32, #tpu.memory_space<hbm>> -> memref<64xi32, #tpu.memory_space<hbm>>
    %dma_start3A_15 = arith.constant 64 : i32
    %dma_start3A_16 = tpu.memref_slice %arg5[%dma_start3A_15] : memref<128xi32, #tpu.memory_space<vmem>> -> memref<64xi32, #tpu.memory_space<vmem>>
    %dma_start3A_17 = tpu.memref_slice %arg3[%add3A_6] : memref<4096xi32, #tpu.memory_space<hbm>> -> memref<64xi32, #tpu.memory_space<hbm>>
    tpu.enqueue_dma source(%dma_start3A_17 : memref<64xi32, #tpu.memory_space<hbm>>) target(%dma_start3A_16 : memref<64xi32, #tpu.memory_space<vmem>>) target_semaphore(%arg9 : memref<!tpu.dma_semaphore, #tpu.memory_space<semaphore_mem>>)
    %multiple_of3A = tpu.assume_multiple %mul3A_2, 128 : i32
    %dma_wait3A = arith.constant 0 : i32
    %dma_wait3A_18 = tpu.memref_slice %arg5[%dma_wait3A] : memref<128xi32, #tpu.memory_space<vmem>> -> memref<64xi32, #tpu.memory_space<vmem>>
    %dma_wait3A_19 = tpu.memref_slice %arg3[%add3A_4] : memref<4096xi32, #tpu.memory_space<hbm>> -> memref<64xi32, #tpu.memory_space<hbm>>
    %dma_wait3A_20 = arith.constant 0 : i32
    %dma_wait3A_21 = tpu.memref_slice %arg5[%dma_wait3A_20] : memref<128xi32, #tpu.memory_space<vmem>> -> memref<64xi32, #tpu.memory_space<vmem>>
    %dma_wait3A_22 = tpu.memref_slice %arg3[%add3A_4] : memref<4096xi32, #tpu.memory_space<hbm>> -> memref<64xi32, #tpu.memory_space<hbm>>
    tpu.wait_dma2 semaphore(%arg8 : memref<!tpu.dma_semaphore, #tpu.memory_space<semaphore_mem>>) src(%dma_wait3A_22 : memref<64xi32, #tpu.memory_space<hbm>>) dst(%dma_wait3A_21 : memref<64xi32, #tpu.memory_space<vmem>>)
    %dma_start3A_23 = arith.constant 0 : i32
    %dma_start3A_24 = arith.constant 0 : i32
    %dma_start3A_25 = tpu.memref_slice %arg6[%dma_start3A_23, %dma_start3A_24] : memref<128x128xf32, #tpu.memory_space<vmem>> -> memref<32x128xf32, #tpu.memory_space<vmem>>
    %dma_start3A_26 = arith.constant 0 : i32
    %dma_start3A_27 = tpu.memref_slice %arg5[%dma_start3A_26] : memref<128xi32, #tpu.memory_space<vmem>> -> memref<32xi32, #tpu.memory_space<vmem>>
    %dma_start3A_28 = arith.constant 0 : i32
    %dma_start3A_29 = tpu.memref_slice %arg2[%dma_start3A_28, %multiple_of3A] : memref<100000x4096xf32, #tpu.memory_space<hbm>> -> memref<100000x128xf32, #tpu.memory_space<hbm>>
    tpu.enqueue_indirect_dma source(%dma_start3A_29 : memref<100000x128xf32, #tpu.memory_space<hbm>>) target(%dma_start3A_25 : memref<32x128xf32, #tpu.memory_space<vmem>>) offsets(%dma_start3A_27 : memref<32xi32, #tpu.memory_space<vmem>>) semaphore(%arg10 : memref<!tpu.dma_semaphore, #tpu.memory_space<semaphore_mem>>)
    %dma_start3A_30 = arith.constant 32 : i32
    %dma_start3A_31 = arith.constant 0 : i32
    %dma_start3A_32 = tpu.memref_slice %arg6[%dma_start3A_30, %dma_start3A_31] : memref<128x128xf32, #tpu.memory_space<vmem>> -> memref<32x128xf32, #tpu.memory_space<vmem>>
    %dma_start3A_33 = arith.constant 32 : i32
    %dma_start3A_34 = tpu.memref_slice %arg5[%dma_start3A_33] : memref<128xi32, #tpu.memory_space<vmem>> -> memref<32xi32, #tpu.memory_space<vmem>>
    %dma_start3A_35 = arith.constant 0 : i32
    %dma_start3A_36 = tpu.memref_slice %arg2[%dma_start3A_35, %multiple_of3A] : memref<100000x4096xf32, #tpu.memory_space<hbm>> -> memref<100000x128xf32, #tpu.memory_space<hbm>>
    tpu.enqueue_indirect_dma source(%dma_start3A_36 : memref<100000x128xf32, #tpu.memory_space<hbm>>) target(%dma_start3A_32 : memref<32x128xf32, #tpu.memory_space<vmem>>) offsets(%dma_start3A_34 : memref<32xi32, #tpu.memory_space<vmem>>) semaphore(%arg11 : memref<!tpu.dma_semaphore, #tpu.memory_space<semaphore_mem>>)
    %dma_wait3A_37 = arith.constant 64 : i32
    %dma_wait3A_38 = tpu.memref_slice %arg5[%dma_wait3A_37] : memref<128xi32, #tpu.memory_space<vmem>> -> memref<64xi32, #tpu.memory_space<vmem>>
    %dma_wait3A_39 = tpu.memref_slice %arg3[%add3A_6] : memref<4096xi32, #tpu.memory_space<hbm>> -> memref<64xi32, #tpu.memory_space<hbm>>
    %dma_wait3A_40 = arith.constant 64 : i32
    %dma_wait3A_41 = tpu.memref_slice %arg5[%dma_wait3A_40] : memref<128xi32, #tpu.memory_space<vmem>> -> memref<64xi32, #tpu.memory_space<vmem>>
    %dma_wait3A_42 = tpu.memref_slice %arg3[%add3A_6] : memref<4096xi32, #tpu.memory_space<hbm>> -> memref<64xi32, #tpu.memory_space<hbm>>
    tpu.wait_dma2 semaphore(%arg9 : memref<!tpu.dma_semaphore, #tpu.memory_space<semaphore_mem>>) src(%dma_wait3A_42 : memref<64xi32, #tpu.memory_space<hbm>>) dst(%dma_wait3A_41 : memref<64xi32, #tpu.memory_space<vmem>>)
    %dma_start3A_43 = arith.constant 64 : i32
    %dma_start3A_44 = arith.constant 0 : i32
    %dma_start3A_45 = tpu.memref_slice %arg6[%dma_start3A_43, %dma_start3A_44] : memref<128x128xf32, #tpu.memory_space<vmem>> -> memref<32x128xf32, #tpu.memory_space<vmem>>
    %dma_start3A_46 = arith.constant 64 : i32
    %dma_start3A_47 = tpu.memref_slice %arg5[%dma_start3A_46] : memref<128xi32, #tpu.memory_space<vmem>> -> memref<32xi32, #tpu.memory_space<vmem>>
    %dma_start3A_48 = arith.constant 0 : i32
    %dma_start3A_49 = tpu.memref_slice %arg2[%dma_start3A_48, %multiple_of3A] : memref<100000x4096xf32, #tpu.memory_space<hbm>> -> memref<100000x128xf32, #tpu.memory_space<hbm>>
    tpu.enqueue_indirect_dma source(%dma_start3A_49 : memref<100000x128xf32, #tpu.memory_space<hbm>>) target(%dma_start3A_45 : memref<32x128xf32, #tpu.memory_space<vmem>>) offsets(%dma_start3A_47 : memref<32xi32, #tpu.memory_space<vmem>>) semaphore(%arg12 : memref<!tpu.dma_semaphore, #tpu.memory_space<semaphore_mem>>)
    %dma_start3A_50 = arith.constant 96 : i32
    %dma_start3A_51 = arith.constant 0 : i32
    %dma_start3A_52 = tpu.memref_slice %arg6[%dma_start3A_50, %dma_start3A_51] : memref<128x128xf32, #tpu.memory_space<vmem>> -> memref<32x128xf32, #tpu.memory_space<vmem>>
    %dma_start3A_53 = arith.constant 96 : i32
    %dma_start3A_54 = tpu.memref_slice %arg5[%dma_start3A_53] : memref<128xi32, #tpu.memory_space<vmem>> -> memref<32xi32, #tpu.memory_space<vmem>>
    %dma_start3A_55 = arith.constant 0 : i32
    %dma_start3A_56 = tpu.memref_slice %arg2[%dma_start3A_55, %multiple_of3A] : memref<100000x4096xf32, #tpu.memory_space<hbm>> -> memref<100000x128xf32, #tpu.memory_space<hbm>>
    tpu.enqueue_indirect_dma source(%dma_start3A_56 : memref<100000x128xf32, #tpu.memory_space<hbm>>) target(%dma_start3A_52 : memref<32x128xf32, #tpu.memory_space<vmem>>) offsets(%dma_start3A_54 : memref<32xi32, #tpu.memory_space<vmem>>) semaphore(%arg13 : memref<!tpu.dma_semaphore, #tpu.memory_space<semaphore_mem>>)
    %iota3A = tpu.iota {dimensions = array<i32: 0>} : vector<16xi32>
    %broadcast_in_dim3A = arith.constant 0.000000e+00 : f32
    %broadcast_in_dim3A_57 = vector.broadcast %broadcast_in_dim3A : f32 to vector<16xf32>
    %dma_wait3A_58 = arith.constant 0 : i32
    %dma_wait3A_59 = arith.constant 0 : i32
    %dma_wait3A_60 = tpu.memref_slice %arg6[%dma_wait3A_58, %dma_wait3A_59] : memref<128x128xf32, #tpu.memory_space<vmem>> -> memref<32x128xf32, #tpu.memory_space<vmem>>
    %dma_wait3A_61 = arith.constant 0 : i32
    %dma_wait3A_62 = tpu.memref_slice %arg5[%dma_wait3A_61] : memref<128xi32, #tpu.memory_space<vmem>> -> memref<32xi32, #tpu.memory_space<vmem>>
    %dma_wait3A_63 = arith.constant 0 : i32
    %dma_wait3A_64 = tpu.memref_slice %arg2[%dma_wait3A_63, %multiple_of3A] : memref<100000x4096xf32, #tpu.memory_space<hbm>> -> memref<100000x128xf32, #tpu.memory_space<hbm>>
    tpu.wait_indirect_dma semaphore(%arg10 : memref<!tpu.dma_semaphore, #tpu.memory_space<semaphore_mem>>) src(%dma_wait3A_64 : memref<100000x128xf32, #tpu.memory_space<hbm>>) dst(%dma_wait3A_60 : memref<32x128xf32, #tpu.memory_space<vmem>>)
    %parallel_loop3A = arith.constant 0 : i32
    %parallel_loop3A_65 = arith.constant 2 : i32
    %parallel_loop3A_66 = arith.constant 1 : i32
    %parallel_loop3A_67 = scf.for %parallel_loop3A_106 = %parallel_loop3A to %parallel_loop3A_65 step %parallel_loop3A_66 iter_args(%parallel_loop3A_107 = %broadcast_in_dim3A_57) -> (vector<16xf32>)  : i32 {
      %parallel_loop3A_108 = arith.constant 16 : i32
      %parallel_loop3A_109 = arith.muli %parallel_loop3A_106, %parallel_loop3A_108 : i32
      %parallel_loop3A_110 = arith.index_cast %parallel_loop3A_109 : i32 to index
      %parallel_loop3A_111 = tpu.vector_load %arg5[%parallel_loop3A_110] {strides = array<i32>} : memref<128xi32, #tpu.memory_space<vmem>>, vector<16xi32>,
      %parallel_loop3A_112 = vector.shape_cast %parallel_loop3A_111 : vector<16xi32> to vector<16xi32>
      %parallel_loop3A_113 = arith.constant 0.000000e+00 : f32
      %parallel_loop3A_114 = vector.broadcast %parallel_loop3A_113 : f32 to vector<16xf32>
      %parallel_loop3A_115 = arith.constant 16 : i32
      %parallel_loop3A_116 = arith.muli %parallel_loop3A_106, %parallel_loop3A_115 : i32
      %parallel_loop3A_117 = arith.constant 0 : i32
      %parallel_loop3A_118 = arith.addi %parallel_loop3A_116, %parallel_loop3A_117 : i32
      %parallel_loop3A_119 = arith.constant 16 : i32
      %parallel_loop3A_120 = arith.muli %parallel_loop3A_106, %parallel_loop3A_119 : i32
      %parallel_loop3A_121 = arith.index_cast %parallel_loop3A_118 : i32 to index
      %parallel_loop3A_122 = arith.index_cast %parallel_loop3A_120 : i32 to index
      %parallel_loop3A_123 = tpu.vector_load %arg6[%parallel_loop3A_121, %parallel_loop3A_122] {strides = array<i32>} : memref<128x128xf32, #tpu.memory_space<vmem>>, vector<1x16xf32>,
      %parallel_loop3A_124 = vector.shape_cast %parallel_loop3A_123 : vector<1x16xf32> to vector<16xf32>
      %parallel_loop3A_125 = arith.constant 0 : i32
      %parallel_loop3A_126 = vector.broadcast %parallel_loop3A_125 : i32 to vector<16xi32>
      %parallel_loop3A_127 = arith.cmpi eq, %iota3A, %parallel_loop3A_126 : vector<16xi32>
      %parallel_loop3A_128 = arith.constant 0.000000e+00 : f32
      %parallel_loop3A_129 = vector.broadcast %parallel_loop3A_128 : f32 to vector<16xf32>
      %parallel_loop3A_130 = arith.select %parallel_loop3A_127, %parallel_loop3A_124, %parallel_loop3A_129 : vector<16xi1>, vector<16xf32>
      %parallel_loop3A_131 = arith.addf %parallel_loop3A_114, %parallel_loop3A_130 : vector<16xf32>
      %parallel_loop3A_132 = arith.constant 16 : i32
      %parallel_loop3A_133 = arith.muli %parallel_loop3A_106, %parallel_loop3A_132 : i32
      %parallel_loop3A_134 = arith.constant 1 : i32
      %parallel_loop3A_135 = arith.addi %parallel_loop3A_133, %parallel_loop3A_134 : i32
      %parallel_loop3A_136 = arith.constant 16 : i32
      %parallel_loop3A_137 = arith.muli %parallel_loop3A_106, %parallel_loop3A_136 : i32
      %parallel_loop3A_138 = arith.index_cast %parallel_loop3A_135 : i32 to index
      %parallel_loop3A_139 = arith.index_cast %parallel_loop3A_137 : i32 to index
      %parallel_loop3A_140 = tpu.vector_load %arg6[%parallel_loop3A_138, %parallel_loop3A_139] {strides = array<i32>} : memref<128x128xf32, #tpu.memory_space<vmem>>, vector<1x16xf32>,
      %parallel_loop3A_141 = vector.shape_cast %parallel_loop3A_140 : vector<1x16xf32> to vector<16xf32>
      %parallel_loop3A_142 = arith.constant 1 : i32
      %parallel_loop3A_143 = vector.broadcast %parallel_loop3A_142 : i32 to vector<16xi32>
      %parallel_loop3A_144 = arith.cmpi eq, %iota3A, %parallel_loop3A_143 : vector<16xi32>
      %parallel_loop3A_145 = arith.constant 0.000000e+00 : f32
      %parallel_loop3A_146 = vector.broadcast %parallel_loop3A_145 : f32 to vector<16xf32>
      %parallel_loop3A_147 = arith.select %parallel_loop3A_144, %parallel_loop3A_141, %parallel_loop3A_146 : vector<16xi1>, vector<16xf32>
      %parallel_loop3A_148 = arith.addf %parallel_loop3A_131, %parallel_loop3A_147 : vector<16xf32>
      %parallel_loop3A_149 = arith.constant 16 : i32
      %parallel_loop3A_150 = arith.muli %parallel_loop3A_106, %parallel_loop3A_149 : i32
      %parallel_loop3A_151 = arith.constant 2 : i32
      %parallel_loop3A_152 = arith.addi %parallel_loop3A_150, %parallel_loop3A_151 : i32
      %parallel_loop3A_153 = arith.constant 16 : i32
      %parallel_loop3A_154 = arith.muli %parallel_loop3A_106, %parallel_loop3A_153 : i32
      %parallel_loop3A_155 = arith.index_cast %parallel_loop3A_152 : i32 to index
      %parallel_loop3A_156 = arith.index_cast %parallel_loop3A_154 : i32 to index
      %parallel_loop3A_157 = tpu.vector_load %arg6[%parallel_loop3A_155, %parallel_loop3A_156] {strides = array<i32>} : memref<128x128xf32, #tpu.memory_space<vmem>>, vector<1x16xf32>,
      %parallel_loop3A_158 = vector.shape_cast %parallel_loop3A_157 : vector<1x16xf32> to vector<16xf32>
      %parallel_loop3A_159 = arith.constant 2 : i32
      %parallel_loop3A_160 = vector.broadcast %parallel_loop3A_159 : i32 to vector<16xi32>
      %parallel_loop3A_161 = arith.cmpi eq, %iota3A, %parallel_loop3A_160 : vector<16xi32>
      %parallel_loop3A_162 = arith.constant 0.000000e+00 : f32
      %parallel_loop3A_163 = vector.broadcast %parallel_loop3A_162 : f32 to vector<16xf32>
      %parallel_loop3A_164 = arith.select %parallel_loop3A_161, %parallel_loop3A_158, %parallel_loop3A_163 : vector<16xi1>, vector<16xf32>
      %parallel_loop3A_165 = arith.addf %parallel_loop3A_148, %parallel_loop3A_164 : vector<16xf32>
      %parallel_loop3A_166 = arith.constant 16 : i32
      %parallel_loop3A_167 = arith.muli %parallel_loop3A_106, %parallel_loop3A_166 : i32
      %parallel_loop3A_168 = arith.constant 3 : i32
      %parallel_loop3A_169 = arith.addi %parallel_loop3A_167, %parallel_loop3A_168 : i32
      %parallel_loop3A_170 = arith.constant 16 : i32
      %parallel_loop3A_171 = arith.muli %parallel_loop3A_106, %parallel_loop3A_170 : i32
      %parallel_loop3A_172 = arith.index_cast %parallel_loop3A_169 : i32 to index
      %parallel_loop3A_173 = arith.index_cast %parallel_loop3A_171 : i32 to index
      %parallel_loop3A_174 = tpu.vector_load %arg6[%parallel_loop3A_172, %parallel_loop3A_173] {strides = array<i32>} : memref<128x128xf32, #tpu.memory_space<vmem>>, vector<1x16xf32>,
      %parallel_loop3A_175 = vector.shape_cast %parallel_loop3A_174 : vector<1x16xf32> to vector<16xf32>
      %parallel_loop3A_176 = arith.constant 3 : i32
      %parallel_loop3A_177 = vector.broadcast %parallel_loop3A_176 : i32 to vector<16xi32>
      %parallel_loop3A_178 = arith.cmpi eq, %iota3A, %parallel_loop3A_177 : vector<16xi32>
      %parallel_loop3A_179 = arith.constant 0.000000e+00 : f32
      %parallel_loop3A_180 = vector.broadcast %parallel_loop3A_179 : f32 to vector<16xf32>
      %parallel_loop3A_181 = arith.select %parallel_loop3A_178, %parallel_loop3A_175, %parallel_loop3A_180 : vector<16xi1>, vector<16xf32>
      %parallel_loop3A_182 = arith.addf %parallel_loop3A_165, %parallel_loop3A_181 : vector<16xf32>
      %parallel_loop3A_183 = arith.constant 16 : i32
      %parallel_loop3A_184 = arith.muli %parallel_loop3A_106, %parallel_loop3A_183 : i32
      %parallel_loop3A_185 = arith.constant 4 : i32
      %parallel_loop3A_186 = arith.addi %parallel_loop3A_184, %parallel_loop3A_185 : i32
      %parallel_loop3A_187 = arith.constant 16 : i32
      %parallel_loop3A_188 = arith.muli %parallel_loop3A_106, %parallel_loop3A_187 : i32
      %parallel_loop3A_189 = arith.index_cast %parallel_loop3A_186 : i32 to index
      %parallel_loop3A_190 = arith.index_cast %parallel_loop3A_188 : i32 to index
      %parallel_loop3A_191 = tpu.vector_load %arg6[%parallel_loop3A_189, %parallel_loop3A_190] {strides = array<i32>} : memref<128x128xf32, #tpu.memory_space<vmem>>, vector<1x16xf32>,
      %parallel_loop3A_192 = vector.shape_cast %parallel_loop3A_191 : vector<1x16xf32> to vector<16xf32>
      %parallel_loop3A_193 = arith.constant 4 : i32
      %parallel_loop3A_194 = vector.broadcast %parallel_loop3A_193 : i32 to vector<16xi32>
      %parallel_loop3A_195 = arith.cmpi eq, %iota3A, %parallel_loop3A_194 : vector<16xi32>
      %parallel_loop3A_196 = arith.constant 0.000000e+00 : f32
      %parallel_loop3A_197 = vector.broadcast %parallel_loop3A_196 : f32 to vector<16xf32>
      %parallel_loop3A_198 = arith.select %parallel_loop3A_195, %parallel_loop3A_192, %parallel_loop3A_197 : vector<16xi1>, vector<16xf32>
      %parallel_loop3A_199 = arith.addf %parallel_loop3A_182, %parallel_loop3A_198 : vector<16xf32>
      %parallel_loop3A_200 = arith.constant 16 : i32
      %parallel_loop3A_201 = arith.muli %parallel_loop3A_106, %parallel_loop3A_200 : i32
      %parallel_loop3A_202 = arith.constant 5 : i32
      %parallel_loop3A_203 = arith.addi %parallel_loop3A_201, %parallel_loop3A_202 : i32
      %parallel_loop3A_204 = arith.constant 16 : i32
      %parallel_loop3A_205 = arith.muli %parallel_loop3A_106, %parallel_loop3A_204 : i32
      %parallel_loop3A_206 = arith.index_cast %parallel_loop3A_203 : i32 to index
      %parallel_loop3A_207 = arith.index_cast %parallel_loop3A_205 : i32 to index
      %parallel_loop3A_208 = tpu.vector_load %arg6[%parallel_loop3A_206, %parallel_loop3A_207] {strides = array<i32>} : memref<128x128xf32, #tpu.memory_space<vmem>>, vector<1x16xf32>,
      %parallel_loop3A_209 = vector.shape_cast %parallel_loop3A_208 : vector<1x16xf32> to vector<16xf32>
      %parallel_loop3A_210 = arith.constant 5 : i32
      %parallel_loop3A_211 = vector.broadcast %parallel_loop3A_210 : i32 to vector<16xi32>
      %parallel_loop3A_212 = arith.cmpi eq, %iota3A, %parallel_loop3A_211 : vector<16xi32>
      %parallel_loop3A_213 = arith.constant 0.000000e+00 : f32
      %parallel_loop3A_214 = vector.broadcast %parallel_loop3A_213 : f32 to vector<16xf32>
      %parallel_loop3A_215 = arith.select %parallel_loop3A_212, %parallel_loop3A_209, %parallel_loop3A_214 : vector<16xi1>, vector<16xf32>
      %parallel_loop3A_216 = arith.addf %parallel_loop3A_199, %parallel_loop3A_215 : vector<16xf32>
      %parallel_loop3A_217 = arith.constant 16 : i32
      %parallel_loop3A_218 = arith.muli %parallel_loop3A_106, %parallel_loop3A_217 : i32
      %parallel_loop3A_219 = arith.constant 6 : i32
      %parallel_loop3A_220 = arith.addi %parallel_loop3A_218, %parallel_loop3A_219 : i32
      %parallel_loop3A_221 = arith.constant 16 : i32
      %parallel_loop3A_222 = arith.muli %parallel_loop3A_106, %parallel_loop3A_221 : i32
      %parallel_loop3A_223 = arith.index_cast %parallel_loop3A_220 : i32 to index
      %parallel_loop3A_224 = arith.index_cast %parallel_loop3A_222 : i32 to index
      %parallel_loop3A_225 = tpu.vector_load %arg6[%parallel_loop3A_223, %parallel_loop3A_224] {strides = array<i32>} : memref<128x128xf32, #tpu.memory_space<vmem>>, vector<1x16xf32>,
      %parallel_loop3A_226 = vector.shape_cast %parallel_loop3A_225 : vector<1x16xf32> to vector<16xf32>
      %parallel_loop3A_227 = arith.constant 6 : i32
      %parallel_loop3A_228 = vector.broadcast %parallel_loop3A_227 : i32 to vector<16xi32>
      %parallel_loop3A_229 = arith.cmpi eq, %iota3A, %parallel_loop3A_228 : vector<16xi32>
      %parallel_loop3A_230 = arith.constant 0.000000e+00 : f32
      %parallel_loop3A_231 = vector.broadcast %parallel_loop3A_230 : f32 to vector<16xf32>
      %parallel_loop3A_232 = arith.select %parallel_loop3A_229, %parallel_loop3A_226, %parallel_loop3A_231 : vector<16xi1>, vector<16xf32>
      %parallel_loop3A_233 = arith.addf %parallel_loop3A_216, %parallel_loop3A_232 : vector<16xf32>
      %parallel_loop3A_234 = arith.constant 16 : i32
      %parallel_loop3A_235 = arith.muli %parallel_loop3A_106, %parallel_loop3A_234 : i32
      %parallel_loop3A_236 = arith.constant 7 : i32
      %parallel_loop3A_237 = arith.addi %parallel_loop3A_235, %parallel_loop3A_236 : i32
      %parallel_loop3A_238 = arith.constant 16 : i32
      %parallel_loop3A_239 = arith.muli %parallel_loop3A_106, %parallel_loop3A_238 : i32
      %parallel_loop3A_240 = arith.index_cast %parallel_loop3A_237 : i32 to index
      %parallel_loop3A_241 = arith.index_cast %parallel_loop3A_239 : i32 to index
      %parallel_loop3A_242 = tpu.vector_load %arg6[%parallel_loop3A_240, %parallel_loop3A_241] {strides = array<i32>} : memref<128x128xf32, #tpu.memory_space<vmem>>, vector<1x16xf32>,
      %parallel_loop3A_243 = vector.shape_cast %parallel_loop3A_242 : vector<1x16xf32> to vector<16xf32>
      %parallel_loop3A_244 = arith.constant 7 : i32
      %parallel_loop3A_245 = vector.broadcast %parallel_loop3A_244 : i32 to vector<16xi32>
      %parallel_loop3A_246 = arith.cmpi eq, %iota3A, %parallel_loop3A_245 : vector<16xi32>
      %parallel_loop3A_247 = arith.constant 0.000000e+00 : f32
      %parallel_loop3A_248 = vector.broadcast %parallel_loop3A_247 : f32 to vector<16xf32>
      %parallel_loop3A_249 = arith.select %parallel_loop3A_246, %parallel_loop3A_243, %parallel_loop3A_248 : vector<16xi1>, vector<16xf32>
      %parallel_loop3A_250 = arith.addf %parallel_loop3A_233, %parallel_loop3A_249 : vector<16xf32>
      %parallel_loop3A_251 = arith.constant 16 : i32
      %parallel_loop3A_252 = arith.muli %parallel_loop3A_106, %parallel_loop3A_251 : i32
      %parallel_loop3A_253 = arith.constant 8 : i32
      %parallel_loop3A_254 = arith.addi %parallel_loop3A_252, %parallel_loop3A_253 : i32
      %parallel_loop3A_255 = arith.constant 16 : i32
      %parallel_loop3A_256 = arith.muli %parallel_loop3A_106, %parallel_loop3A_255 : i32
      %parallel_loop3A_257 = arith.index_cast %parallel_loop3A_254 : i32 to index
      %parallel_loop3A_258 = arith.index_cast %parallel_loop3A_256 : i32 to index
      %parallel_loop3A_259 = tpu.vector_load %arg6[%parallel_loop3A_257, %parallel_loop3A_258] {strides = array<i32>} : memref<128x128xf32, #tpu.memory_space<vmem>>, vector<1x16xf32>,
      %parallel_loop3A_260 = vector.shape_cast %parallel_loop3A_259 : vector<1x16xf32> to vector<16xf32>
      %parallel_loop3A_261 = arith.constant 8 : i32
      %parallel_loop3A_262 = vector.broadcast %parallel_loop3A_261 : i32 to vector<16xi32>
      %parallel_loop3A_263 = arith.cmpi eq, %iota3A, %parallel_loop3A_262 : vector<16xi32>
      %parallel_loop3A_264 = arith.constant 0.000000e+00 : f32
      %parallel_loop3A_265 = vector.broadcast %parallel_loop3A_264 : f32 to vector<16xf32>
      %parallel_loop3A_266 = arith.select %parallel_loop3A_263, %parallel_loop3A_260, %parallel_loop3A_265 : vector<16xi1>, vector<16xf32>
      %parallel_loop3A_267 = arith.addf %parallel_loop3A_250, %parallel_loop3A_266 : vector<16xf32>
      %parallel_loop3A_268 = arith.constant 16 : i32
      %parallel_loop3A_269 = arith.muli %parallel_loop3A_106, %parallel_loop3A_268 : i32
      %parallel_loop3A_270 = arith.constant 9 : i32
      %parallel_loop3A_271 = arith.addi %parallel_loop3A_269, %parallel_loop3A_270 : i32
      %parallel_loop3A_272 = arith.constant 16 : i32
      %parallel_loop3A_273 = arith.muli %parallel_loop3A_106, %parallel_loop3A_272 : i32
      %parallel_loop3A_274 = arith.index_cast %parallel_loop3A_271 : i32 to index
      %parallel_loop3A_275 = arith.index_cast %parallel_loop3A_273 : i32 to index
      %parallel_loop3A_276 = tpu.vector_load %arg6[%parallel_loop3A_274, %parallel_loop3A_275] {strides = array<i32>} : memref<128x128xf32, #tpu.memory_space<vmem>>, vector<1x16xf32>,
      %parallel_loop3A_277 = vector.shape_cast %parallel_loop3A_276 : vector<1x16xf32> to vector<16xf32>
      %parallel_loop3A_278 = arith.constant 9 : i32
      %parallel_loop3A_279 = vector.broadcast %parallel_loop3A_278 : i32 to vector<16xi32>
      %parallel_loop3A_280 = arith.cmpi eq, %iota3A, %parallel_loop3A_279 : vector<16xi32>
      %parallel_loop3A_281 = arith.constant 0.000000e+00 : f32
      %parallel_loop3A_282 = vector.broadcast %parallel_loop3A_281 : f32 to vector<16xf32>
      %parallel_loop3A_283 = arith.select %parallel_loop3A_280, %parallel_loop3A_277, %parallel_loop3A_282 : vector<16xi1>, vector<16xf32>
      %parallel_loop3A_284 = arith.addf %parallel_loop3A_267, %parallel_loop3A_283 : vector<16xf32>
      %parallel_loop3A_285 = arith.constant 16 : i32
      %parallel_loop3A_286 = arith.muli %parallel_loop3A_106, %parallel_loop3A_285 : i32
      %parallel_loop3A_287 = arith.constant 10 : i32
      %parallel_loop3A_288 = arith.addi %parallel_loop3A_286, %parallel_loop3A_287 : i32
      %parallel_loop3A_289 = arith.constant 16 : i32
      %parallel_loop3A_290 = arith.muli %parallel_loop3A_106, %parallel_loop3A_289 : i32
      %parallel_loop3A_291 = arith.index_cast %parallel_loop3A_288 : i32 to index
      %parallel_loop3A_292 = arith.index_cast %parallel_loop3A_290 : i32 to index
      %parallel_loop3A_293 = tpu.vector_load %arg6[%parallel_loop3A_291, %parallel_loop3A_292] {strides = array<i32>} : memref<128x128xf32, #tpu.memory_space<vmem>>, vector<1x16xf32>,
      %parallel_loop3A_294 = vector.shape_cast %parallel_loop3A_293 : vector<1x16xf32> to vector<16xf32>
      %parallel_loop3A_295 = arith.constant 10 : i32
      %parallel_loop3A_296 = vector.broadcast %parallel_loop3A_295 : i32 to vector<16xi32>
      %parallel_loop3A_297 = arith.cmpi eq, %iota3A, %parallel_loop3A_296 : vector<16xi32>
      %parallel_loop3A_298 = arith.constant 0.000000e+00 : f32
      %parallel_loop3A_299 = vector.broadcast %parallel_loop3A_298 : f32 to vector<16xf32>
      %parallel_loop3A_300 = arith.select %parallel_loop3A_297, %parallel_loop3A_294, %parallel_loop3A_299 : vector<16xi1>, vector<16xf32>
      %parallel_loop3A_301 = arith.addf %parallel_loop3A_284, %parallel_loop3A_300 : vector<16xf32>
      %parallel_loop3A_302 = arith.constant 16 : i32
      %parallel_loop3A_303 = arith.muli %parallel_loop3A_106, %parallel_loop3A_302 : i32
      %parallel_loop3A_304 = arith.constant 11 : i32
      %parallel_loop3A_305 = arith.addi %parallel_loop3A_303, %parallel_loop3A_304 : i32
      %parallel_loop3A_306 = arith.constant 16 : i32
      %parallel_loop3A_307 = arith.muli %parallel_loop3A_106, %parallel_loop3A_306 : i32
      %parallel_loop3A_308 = arith.index_cast %parallel_loop3A_305 : i32 to index
      %parallel_loop3A_309 = arith.index_cast %parallel_loop3A_307 : i32 to index
      %parallel_loop3A_310 = tpu.vector_load %arg6[%parallel_loop3A_308, %parallel_loop3A_309] {strides = array<i32>} : memref<128x128xf32, #tpu.memory_space<vmem>>, vector<1x16xf32>,
      %parallel_loop3A_311 = vector.shape_cast %parallel_loop3A_310 : vector<1x16xf32> to vector<16xf32>
      %parallel_loop3A_312 = arith.constant 11 : i32
      %parallel_loop3A_313 = vector.broadcast %parallel_loop3A_312 : i32 to vector<16xi32>
      %parallel_loop3A_314 = arith.cmpi eq, %iota3A, %parallel_loop3A_313 : vector<16xi32>
      %parallel_loop3A_315 = arith.constant 0.000000e+00 : f32
      %parallel_loop3A_316 = vector.broadcast %parallel_loop3A_315 : f32 to vector<16xf32>
      %parallel_loop3A_317 = arith.select %parallel_loop3A_314, %parallel_loop3A_311, %parallel_loop3A_316 : vector<16xi1>, vector<16xf32>
      %parallel_loop3A_318 = arith.addf %parallel_loop3A_301, %parallel_loop3A_317 : vector<16xf32>
      %parallel_loop3A_319 = arith.constant 16 : i32
      %parallel_loop3A_320 = arith.muli %parallel_loop3A_106, %parallel_loop3A_319 : i32
      %parallel_loop3A_321 = arith.constant 12 : i32
      %parallel_loop3A_322 = arith.addi %parallel_loop3A_320, %parallel_loop3A_321 : i32
      %parallel_loop3A_323 = arith.constant 16 : i32
      %parallel_loop3A_324 = arith.muli %parallel_loop3A_106, %parallel_loop3A_323 : i32
      %parallel_loop3A_325 = arith.index_cast %parallel_loop3A_322 : i32 to index
      %parallel_loop3A_326 = arith.index_cast %parallel_loop3A_324 : i32 to index
      %parallel_loop3A_327 = tpu.vector_load %arg6[%parallel_loop3A_325, %parallel_loop3A_326] {strides = array<i32>} : memref<128x128xf32, #tpu.memory_space<vmem>>, vector<1x16xf32>,
      %parallel_loop3A_328 = vector.shape_cast %parallel_loop3A_327 : vector<1x16xf32> to vector<16xf32>
      %parallel_loop3A_329 = arith.constant 12 : i32
      %parallel_loop3A_330 = vector.broadcast %parallel_loop3A_329 : i32 to vector<16xi32>
      %parallel_loop3A_331 = arith.cmpi eq, %iota3A, %parallel_loop3A_330 : vector<16xi32>
      %parallel_loop3A_332 = arith.constant 0.000000e+00 : f32
      %parallel_loop3A_333 = vector.broadcast %parallel_loop3A_332 : f32 to vector<16xf32>
      %parallel_loop3A_334 = arith.select %parallel_loop3A_331, %parallel_loop3A_328, %parallel_loop3A_333 : vector<16xi1>, vector<16xf32>
      %parallel_loop3A_335 = arith.addf %parallel_loop3A_318, %parallel_loop3A_334 : vector<16xf32>
      %parallel_loop3A_336 = arith.constant 16 : i32
      %parallel_loop3A_337 = arith.muli %parallel_loop3A_106, %parallel_loop3A_336 : i32
      %parallel_loop3A_338 = arith.constant 13 : i32
      %parallel_loop3A_339 = arith.addi %parallel_loop3A_337, %parallel_loop3A_338 : i32
      %parallel_loop3A_340 = arith.constant 16 : i32
      %parallel_loop3A_341 = arith.muli %parallel_loop3A_106, %parallel_loop3A_340 : i32
      %parallel_loop3A_342 = arith.index_cast %parallel_loop3A_339 : i32 to index
      %parallel_loop3A_343 = arith.index_cast %parallel_loop3A_341 : i32 to index
      %parallel_loop3A_344 = tpu.vector_load %arg6[%parallel_loop3A_342, %parallel_loop3A_343] {strides = array<i32>} : memref<128x128xf32, #tpu.memory_space<vmem>>, vector<1x16xf32>,
      %parallel_loop3A_345 = vector.shape_cast %parallel_loop3A_344 : vector<1x16xf32> to vector<16xf32>
      %parallel_loop3A_346 = arith.constant 13 : i32
      %parallel_loop3A_347 = vector.broadcast %parallel_loop3A_346 : i32 to vector<16xi32>
      %parallel_loop3A_348 = arith.cmpi eq, %iota3A, %parallel_loop3A_347 : vector<16xi32>
      %parallel_loop3A_349 = arith.constant 0.000000e+00 : f32
      %parallel_loop3A_350 = vector.broadcast %parallel_loop3A_349 : f32 to vector<16xf32>
      %parallel_loop3A_351 = arith.select %parallel_loop3A_348, %parallel_loop3A_345, %parallel_loop3A_350 : vector<16xi1>, vector<16xf32>
      %parallel_loop3A_352 = arith.addf %parallel_loop3A_335, %parallel_loop3A_351 : vector<16xf32>
      %parallel_loop3A_353 = arith.constant 16 : i32
      %parallel_loop3A_354 = arith.muli %parallel_loop3A_106, %parallel_loop3A_353 : i32
      %parallel_loop3A_355 = arith.constant 14 : i32
      %parallel_loop3A_356 = arith.addi %parallel_loop3A_354, %parallel_loop3A_355 : i32
      %parallel_loop3A_357 = arith.constant 16 : i32
      %parallel_loop3A_358 = arith.muli %parallel_loop3A_106, %parallel_loop3A_357 : i32
      %parallel_loop3A_359 = arith.index_cast %parallel_loop3A_356 : i32 to index
      %parallel_loop3A_360 = arith.index_cast %parallel_loop3A_358 : i32 to index
      %parallel_loop3A_361 = tpu.vector_load %arg6[%parallel_loop3A_359, %parallel_loop3A_360] {strides = array<i32>} : memref<128x128xf32, #tpu.memory_space<vmem>>, vector<1x16xf32>,
      %parallel_loop3A_362 = vector.shape_cast %parallel_loop3A_361 : vector<1x16xf32> to vector<16xf32>
      %parallel_loop3A_363 = arith.constant 14 : i32
      %parallel_loop3A_364 = vector.broadcast %parallel_loop3A_363 : i32 to vector<16xi32>
      %parallel_loop3A_365 = arith.cmpi eq, %iota3A, %parallel_loop3A_364 : vector<16xi32>
      %parallel_loop3A_366 = arith.constant 0.000000e+00 : f32
      %parallel_loop3A_367 = vector.broadcast %parallel_loop3A_366 : f32 to vector<16xf32>
      %parallel_loop3A_368 = arith.select %parallel_loop3A_365, %parallel_loop3A_362, %parallel_loop3A_367 : vector<16xi1>, vector<16xf32>
      %parallel_loop3A_369 = arith.addf %parallel_loop3A_352, %parallel_loop3A_368 : vector<16xf32>
      %parallel_loop3A_370 = arith.constant 16 : i32
      %parallel_loop3A_371 = arith.muli %parallel_loop3A_106, %parallel_loop3A_370 : i32
      %parallel_loop3A_372 = arith.constant 15 : i32
      %parallel_loop3A_373 = arith.addi %parallel_loop3A_371, %parallel_loop3A_372 : i32
      %parallel_loop3A_374 = arith.constant 16 : i32
      %parallel_loop3A_375 = arith.muli %parallel_loop3A_106, %parallel_loop3A_374 : i32
      %parallel_loop3A_376 = arith.index_cast %parallel_loop3A_373 : i32 to index
      %parallel_loop3A_377 = arith.index_cast %parallel_loop3A_375 : i32 to index
      %parallel_loop3A_378 = tpu.vector_load %arg6[%parallel_loop3A_376, %parallel_loop3A_377] {strides = array<i32>} : memref<128x128xf32, #tpu.memory_space<vmem>>, vector<1x16xf32>,
      %parallel_loop3A_379 = vector.shape_cast %parallel_loop3A_378 : vector<1x16xf32> to vector<16xf32>
      %parallel_loop3A_380 = arith.constant 15 : i32
      %parallel_loop3A_381 = vector.broadcast %parallel_loop3A_380 : i32 to vector<16xi32>
      %parallel_loop3A_382 = arith.cmpi eq, %iota3A, %parallel_loop3A_381 : vector<16xi32>
      %parallel_loop3A_383 = arith.constant 0.000000e+00 : f32
      %parallel_loop3A_384 = vector.broadcast %parallel_loop3A_383 : f32 to vector<16xf32>
      %parallel_loop3A_385 = arith.select %parallel_loop3A_382, %parallel_loop3A_379, %parallel_loop3A_384 : vector<16xi1>, vector<16xf32>
      %parallel_loop3A_386 = arith.addf %parallel_loop3A_369, %parallel_loop3A_385 : vector<16xf32>
      %parallel_loop3A_387 = arith.constant 0 : i32
      %parallel_loop3A_388 = vector.broadcast %parallel_loop3A_387 : i32 to vector<16xi32>
      %parallel_loop3A_389 = arith.cmpi sgt, %parallel_loop3A_112, %parallel_loop3A_388 : vector<16xi32>
      %parallel_loop3A_390 = arith.constant 0.000000e+00 : f32
      %parallel_loop3A_391 = vector.broadcast %parallel_loop3A_390 : f32 to vector<16xf32>
      %parallel_loop3A_392 = arith.select %parallel_loop3A_389, %parallel_loop3A_386, %parallel_loop3A_391 : vector<16xi1>, vector<16xf32>
      %parallel_loop3A_393 = arith.addf %parallel_loop3A_107, %parallel_loop3A_392 : vector<16xf32>
      scf.yield %parallel_loop3A_393 : vector<16xf32>
    } {sc.loop_unroll_factor = 1 : i64, sc.parallel_access}
    %dma_wait3A_68 = arith.constant 32 : i32
    %dma_wait3A_69 = arith.constant 0 : i32
    %dma_wait3A_70 = tpu.memref_slice %arg6[%dma_wait3A_68, %dma_wait3A_69] : memref<128x128xf32, #tpu.memory_space<vmem>> -> memref<32x128xf32, #tpu.memory_space<vmem>>
    %dma_wait3A_71 = arith.constant 32 : i32
    %dma_wait3A_72 = tpu.memref_slice %arg5[%dma_wait3A_71] : memref<128xi32, #tpu.memory_space<vmem>> -> memref<32xi32, #tpu.memory_space<vmem>>
    %dma_wait3A_73 = arith.constant 0 : i32
    %dma_wait3A_74 = tpu.memref_slice %arg2[%dma_wait3A_73, %multiple_of3A] : memref<100000x4096xf32, #tpu.memory_space<hbm>> -> memref<100000x128xf32, #tpu.memory_space<hbm>>
    tpu.wait_indirect_dma semaphore(%arg11 : memref<!tpu.dma_semaphore, #tpu.memory_space<semaphore_mem>>) src(%dma_wait3A_74 : memref<100000x128xf32, #tpu.memory_space<hbm>>) dst(%dma_wait3A_70 : memref<32x128xf32, #tpu.memory_space<vmem>>)
    %parallel_loop3A_75 = arith.constant 2 : i32
    %parallel_loop3A_76 = arith.constant 4 : i32
    %parallel_loop3A_77 = arith.constant 1 : i32
    %parallel_loop3A_78 = scf.for %parallel_loop3A_106 = %parallel_loop3A_75 to %parallel_loop3A_76 step %parallel_loop3A_77 iter_args(%parallel_loop3A_107 = %parallel_loop3A_67) -> (vector<16xf32>)  : i32 {
      %parallel_loop3A_108 = arith.constant 16 : i32
      %parallel_loop3A_109 = arith.muli %parallel_loop3A_106, %parallel_loop3A_108 : i32
      %parallel_loop3A_110 = arith.index_cast %parallel_loop3A_109 : i32 to index
      %parallel_loop3A_111 = tpu.vector_load %arg5[%parallel_loop3A_110] {strides = array<i32>} : memref<128xi32, #tpu.memory_space<vmem>>, vector<16xi32>,
      %parallel_loop3A_112 = vector.shape_cast %parallel_loop3A_111 : vector<16xi32> to vector<16xi32>
      %parallel_loop3A_113 = arith.constant 0.000000e+00 : f32
      %parallel_loop3A_114 = vector.broadcast %parallel_loop3A_113 : f32 to vector<16xf32>
      %parallel_loop3A_115 = arith.constant 16 : i32
      %parallel_loop3A_116 = arith.muli %parallel_loop3A_106, %parallel_loop3A_115 : i32
      %parallel_loop3A_117 = arith.constant 0 : i32
      %parallel_loop3A_118 = arith.addi %parallel_loop3A_116, %parallel_loop3A_117 : i32
      %parallel_loop3A_119 = arith.constant 16 : i32
      %parallel_loop3A_120 = arith.muli %parallel_loop3A_106, %parallel_loop3A_119 : i32
      %parallel_loop3A_121 = arith.index_cast %parallel_loop3A_118 : i32 to index
      %parallel_loop3A_122 = arith.index_cast %parallel_loop3A_120 : i32 to index
      %parallel_loop3A_123 = tpu.vector_load %arg6[%parallel_loop3A_121, %parallel_loop3A_122] {strides = array<i32>} : memref<128x128xf32, #tpu.memory_space<vmem>>, vector<1x16xf32>,
      %parallel_loop3A_124 = vector.shape_cast %parallel_loop3A_123 : vector<1x16xf32> to vector<16xf32>
      %parallel_loop3A_125 = arith.constant 0 : i32
      %parallel_loop3A_126 = vector.broadcast %parallel_loop3A_125 : i32 to vector<16xi32>
      %parallel_loop3A_127 = arith.cmpi eq, %iota3A, %parallel_loop3A_126 : vector<16xi32>
      %parallel_loop3A_128 = arith.constant 0.000000e+00 : f32
      %parallel_loop3A_129 = vector.broadcast %parallel_loop3A_128 : f32 to vector<16xf32>
      %parallel_loop3A_130 = arith.select %parallel_loop3A_127, %parallel_loop3A_124, %parallel_loop3A_129 : vector<16xi1>, vector<16xf32>
      %parallel_loop3A_131 = arith.addf %parallel_loop3A_114, %parallel_loop3A_130 : vector<16xf32>
      %parallel_loop3A_132 = arith.constant 16 : i32
      %parallel_loop3A_133 = arith.muli %parallel_loop3A_106, %parallel_loop3A_132 : i32
      %parallel_loop3A_134 = arith.constant 1 : i32
      %parallel_loop3A_135 = arith.addi %parallel_loop3A_133, %parallel_loop3A_134 : i32
      %parallel_loop3A_136 = arith.constant 16 : i32
      %parallel_loop3A_137 = arith.muli %parallel_loop3A_106, %parallel_loop3A_136 : i32
      %parallel_loop3A_138 = arith.index_cast %parallel_loop3A_135 : i32 to index
      %parallel_loop3A_139 = arith.index_cast %parallel_loop3A_137 : i32 to index
      %parallel_loop3A_140 = tpu.vector_load %arg6[%parallel_loop3A_138, %parallel_loop3A_139] {strides = array<i32>} : memref<128x128xf32, #tpu.memory_space<vmem>>, vector<1x16xf32>,
      %parallel_loop3A_141 = vector.shape_cast %parallel_loop3A_140 : vector<1x16xf32> to vector<16xf32>
      %parallel_loop3A_142 = arith.constant 1 : i32
      %parallel_loop3A_143 = vector.broadcast %parallel_loop3A_142 : i32 to vector<16xi32>
      %parallel_loop3A_144 = arith.cmpi eq, %iota3A, %parallel_loop3A_143 : vector<16xi32>
      %parallel_loop3A_145 = arith.constant 0.000000e+00 : f32
      %parallel_loop3A_146 = vector.broadcast %parallel_loop3A_145 : f32 to vector<16xf32>
      %parallel_loop3A_147 = arith.select %parallel_loop3A_144, %parallel_loop3A_141, %parallel_loop3A_146 : vector<16xi1>, vector<16xf32>
      %parallel_loop3A_148 = arith.addf %parallel_loop3A_131, %parallel_loop3A_147 : vector<16xf32>
      %parallel_loop3A_149 = arith.constant 16 : i32
      %parallel_loop3A_150 = arith.muli %parallel_loop3A_106, %parallel_loop3A_149 : i32
      %parallel_loop3A_151 = arith.constant 2 : i32
      %parallel_loop3A_152 = arith.addi %parallel_loop3A_150, %parallel_loop3A_151 : i32
      %parallel_loop3A_153 = arith.constant 16 : i32
      %parallel_loop3A_154 = arith.muli %parallel_loop3A_106, %parallel_loop3A_153 : i32
      %parallel_loop3A_155 = arith.index_cast %parallel_loop3A_152 : i32 to index
      %parallel_loop3A_156 = arith.index_cast %parallel_loop3A_154 : i32 to index
      %parallel_loop3A_157 = tpu.vector_load %arg6[%parallel_loop3A_155, %parallel_loop3A_156] {strides = array<i32>} : memref<128x128xf32, #tpu.memory_space<vmem>>, vector<1x16xf32>,
      %parallel_loop3A_158 = vector.shape_cast %parallel_loop3A_157 : vector<1x16xf32> to vector<16xf32>
      %parallel_loop3A_159 = arith.constant 2 : i32
      %parallel_loop3A_160 = vector.broadcast %parallel_loop3A_159 : i32 to vector<16xi32>
      %parallel_loop3A_161 = arith.cmpi eq, %iota3A, %parallel_loop3A_160 : vector<16xi32>
      %parallel_loop3A_162 = arith.constant 0.000000e+00 : f32
      %parallel_loop3A_163 = vector.broadcast %parallel_loop3A_162 : f32 to vector<16xf32>
      %parallel_loop3A_164 = arith.select %parallel_loop3A_161, %parallel_loop3A_158, %parallel_loop3A_163 : vector<16xi1>, vector<16xf32>
      %parallel_loop3A_165 = arith.addf %parallel_loop3A_148, %parallel_loop3A_164 : vector<16xf32>
      %parallel_loop3A_166 = arith.constant 16 : i32
      %parallel_loop3A_167 = arith.muli %parallel_loop3A_106, %parallel_loop3A_166 : i32
      %parallel_loop3A_168 = arith.constant 3 : i32
      %parallel_loop3A_169 = arith.addi %parallel_loop3A_167, %parallel_loop3A_168 : i32
      %parallel_loop3A_170 = arith.constant 16 : i32
      %parallel_loop3A_171 = arith.muli %parallel_loop3A_106, %parallel_loop3A_170 : i32
      %parallel_loop3A_172 = arith.index_cast %parallel_loop3A_169 : i32 to index
      %parallel_loop3A_173 = arith.index_cast %parallel_loop3A_171 : i32 to index
      %parallel_loop3A_174 = tpu.vector_load %arg6[%parallel_loop3A_172, %parallel_loop3A_173] {strides = array<i32>} : memref<128x128xf32, #tpu.memory_space<vmem>>, vector<1x16xf32>,
      %parallel_loop3A_175 = vector.shape_cast %parallel_loop3A_174 : vector<1x16xf32> to vector<16xf32>
      %parallel_loop3A_176 = arith.constant 3 : i32
      %parallel_loop3A_177 = vector.broadcast %parallel_loop3A_176 : i32 to vector<16xi32>
      %parallel_loop3A_178 = arith.cmpi eq, %iota3A, %parallel_loop3A_177 : vector<16xi32>
      %parallel_loop3A_179 = arith.constant 0.000000e+00 : f32
      %parallel_loop3A_180 = vector.broadcast %parallel_loop3A_179 : f32 to vector<16xf32>
      %parallel_loop3A_181 = arith.select %parallel_loop3A_178, %parallel_loop3A_175, %parallel_loop3A_180 : vector<16xi1>, vector<16xf32>
      %parallel_loop3A_182 = arith.addf %parallel_loop3A_165, %parallel_loop3A_181 : vector<16xf32>
      %parallel_loop3A_183 = arith.constant 16 : i32
      %parallel_loop3A_184 = arith.muli %parallel_loop3A_106, %parallel_loop3A_183 : i32
      %parallel_loop3A_185 = arith.constant 4 : i32
      %parallel_loop3A_186 = arith.addi %parallel_loop3A_184, %parallel_loop3A_185 : i32
      %parallel_loop3A_187 = arith.constant 16 : i32
      %parallel_loop3A_188 = arith.muli %parallel_loop3A_106, %parallel_loop3A_187 : i32
      %parallel_loop3A_189 = arith.index_cast %parallel_loop3A_186 : i32 to index
      %parallel_loop3A_190 = arith.index_cast %parallel_loop3A_188 : i32 to index
      %parallel_loop3A_191 = tpu.vector_load %arg6[%parallel_loop3A_189, %parallel_loop3A_190] {strides = array<i32>} : memref<128x128xf32, #tpu.memory_space<vmem>>, vector<1x16xf32>,
      %parallel_loop3A_192 = vector.shape_cast %parallel_loop3A_191 : vector<1x16xf32> to vector<16xf32>
      %parallel_loop3A_193 = arith.constant 4 : i32
      %parallel_loop3A_194 = vector.broadcast %parallel_loop3A_193 : i32 to vector<16xi32>
      %parallel_loop3A_195 = arith.cmpi eq, %iota3A, %parallel_loop3A_194 : vector<16xi32>
      %parallel_loop3A_196 = arith.constant 0.000000e+00 : f32
      %parallel_loop3A_197 = vector.broadcast %parallel_loop3A_196 : f32 to vector<16xf32>
      %parallel_loop3A_198 = arith.select %parallel_loop3A_195, %parallel_loop3A_192, %parallel_loop3A_197 : vector<16xi1>, vector<16xf32>
      %parallel_loop3A_199 = arith.addf %parallel_loop3A_182, %parallel_loop3A_198 : vector<16xf32>
      %parallel_loop3A_200 = arith.constant 16 : i32
      %parallel_loop3A_201 = arith.muli %parallel_loop3A_106, %parallel_loop3A_200 : i32
      %parallel_loop3A_202 = arith.constant 5 : i32
      %parallel_loop3A_203 = arith.addi %parallel_loop3A_201, %parallel_loop3A_202 : i32
      %parallel_loop3A_204 = arith.constant 16 : i32
      %parallel_loop3A_205 = arith.muli %parallel_loop3A_106, %parallel_loop3A_204 : i32
      %parallel_loop3A_206 = arith.index_cast %parallel_loop3A_203 : i32 to index
      %parallel_loop3A_207 = arith.index_cast %parallel_loop3A_205 : i32 to index
      %parallel_loop3A_208 = tpu.vector_load %arg6[%parallel_loop3A_206, %parallel_loop3A_207] {strides = array<i32>} : memref<128x128xf32, #tpu.memory_space<vmem>>, vector<1x16xf32>,
      %parallel_loop3A_209 = vector.shape_cast %parallel_loop3A_208 : vector<1x16xf32> to vector<16xf32>
      %parallel_loop3A_210 = arith.constant 5 : i32
      %parallel_loop3A_211 = vector.broadcast %parallel_loop3A_210 : i32 to vector<16xi32>
      %parallel_loop3A_212 = arith.cmpi eq, %iota3A, %parallel_loop3A_211 : vector<16xi32>
      %parallel_loop3A_213 = arith.constant 0.000000e+00 : f32
      %parallel_loop3A_214 = vector.broadcast %parallel_loop3A_213 : f32 to vector<16xf32>
      %parallel_loop3A_215 = arith.select %parallel_loop3A_212, %parallel_loop3A_209, %parallel_loop3A_214 : vector<16xi1>, vector<16xf32>
      %parallel_loop3A_216 = arith.addf %parallel_loop3A_199, %parallel_loop3A_215 : vector<16xf32>
      %parallel_loop3A_217 = arith.constant 16 : i32
      %parallel_loop3A_218 = arith.muli %parallel_loop3A_106, %parallel_loop3A_217 : i32
      %parallel_loop3A_219 = arith.constant 6 : i32
      %parallel_loop3A_220 = arith.addi %parallel_loop3A_218, %parallel_loop3A_219 : i32
      %parallel_loop3A_221 = arith.constant 16 : i32
      %parallel_loop3A_222 = arith.muli %parallel_loop3A_106, %parallel_loop3A_221 : i32
      %parallel_loop3A_223 = arith.index_cast %parallel_loop3A_220 : i32 to index
      %parallel_loop3A_224 = arith.index_cast %parallel_loop3A_222 : i32 to index
      %parallel_loop3A_225 = tpu.vector_load %arg6[%parallel_loop3A_223, %parallel_loop3A_224] {strides = array<i32>} : memref<128x128xf32, #tpu.memory_space<vmem>>, vector<1x16xf32>,
      %parallel_loop3A_226 = vector.shape_cast %parallel_loop3A_225 : vector<1x16xf32> to vector<16xf32>
      %parallel_loop3A_227 = arith.constant 6 : i32
      %parallel_loop3A_228 = vector.broadcast %parallel_loop3A_227 : i32 to vector<16xi32>
      %parallel_loop3A_229 = arith.cmpi eq, %iota3A, %parallel_loop3A_228 : vector<16xi32>
      %parallel_loop3A_230 = arith.constant 0.000000e+00 : f32
      %parallel_loop3A_231 = vector.broadcast %parallel_loop3A_230 : f32 to vector<16xf32>
      %parallel_loop3A_232 = arith.select %parallel_loop3A_229, %parallel_loop3A_226, %parallel_loop3A_231 : vector<16xi1>, vector<16xf32>
      %parallel_loop3A_233 = arith.addf %parallel_loop3A_216, %parallel_loop3A_232 : vector<16xf32>
      %parallel_loop3A_234 = arith.constant 16 : i32
      %parallel_loop3A_235 = arith.muli %parallel_loop3A_106, %parallel_loop3A_234 : i32
      %parallel_loop3A_236 = arith.constant 7 : i32
      %parallel_loop3A_237 = arith.addi %parallel_loop3A_235, %parallel_loop3A_236 : i32
      %parallel_loop3A_238 = arith.constant 16 : i32
      %parallel_loop3A_239 = arith.muli %parallel_loop3A_106, %parallel_loop3A_238 : i32
      %parallel_loop3A_240 = arith.index_cast %parallel_loop3A_237 : i32 to index
      %parallel_loop3A_241 = arith.index_cast %parallel_loop3A_239 : i32 to index
      %parallel_loop3A_242 = tpu.vector_load %arg6[%parallel_loop3A_240, %parallel_loop3A_241] {strides = array<i32>} : memref<128x128xf32, #tpu.memory_space<vmem>>, vector<1x16xf32>,
      %parallel_loop3A_243 = vector.shape_cast %parallel_loop3A_242 : vector<1x16xf32> to vector<16xf32>
      %parallel_loop3A_244 = arith.constant 7 : i32
      %parallel_loop3A_245 = vector.broadcast %parallel_loop3A_244 : i32 to vector<16xi32>
      %parallel_loop3A_246 = arith.cmpi eq, %iota3A, %parallel_loop3A_245 : vector<16xi32>
      %parallel_loop3A_247 = arith.constant 0.000000e+00 : f32
      %parallel_loop3A_248 = vector.broadcast %parallel_loop3A_247 : f32 to vector<16xf32>
      %parallel_loop3A_249 = arith.select %parallel_loop3A_246, %parallel_loop3A_243, %parallel_loop3A_248 : vector<16xi1>, vector<16xf32>
      %parallel_loop3A_250 = arith.addf %parallel_loop3A_233, %parallel_loop3A_249 : vector<16xf32>
      %parallel_loop3A_251 = arith.constant 16 : i32
      %parallel_loop3A_252 = arith.muli %parallel_loop3A_106, %parallel_loop3A_251 : i32
      %parallel_loop3A_253 = arith.constant 8 : i32
      %parallel_loop3A_254 = arith.addi %parallel_loop3A_252, %parallel_loop3A_253 : i32
      %parallel_loop3A_255 = arith.constant 16 : i32
      %parallel_loop3A_256 = arith.muli %parallel_loop3A_106, %parallel_loop3A_255 : i32
      %parallel_loop3A_257 = arith.index_cast %parallel_loop3A_254 : i32 to index
      %parallel_loop3A_258 = arith.index_cast %parallel_loop3A_256 : i32 to index
      %parallel_loop3A_259 = tpu.vector_load %arg6[%parallel_loop3A_257, %parallel_loop3A_258] {strides = array<i32>} : memref<128x128xf32, #tpu.memory_space<vmem>>, vector<1x16xf32>,
      %parallel_loop3A_260 = vector.shape_cast %parallel_loop3A_259 : vector<1x16xf32> to vector<16xf32>
      %parallel_loop3A_261 = arith.constant 8 : i32
      %parallel_loop3A_262 = vector.broadcast %parallel_loop3A_261 : i32 to vector<16xi32>
      %parallel_loop3A_263 = arith.cmpi eq, %iota3A, %parallel_loop3A_262 : vector<16xi32>
      %parallel_loop3A_264 = arith.constant 0.000000e+00 : f32
      %parallel_loop3A_265 = vector.broadcast %parallel_loop3A_264 : f32 to vector<16xf32>
      %parallel_loop3A_266 = arith.select %parallel_loop3A_263, %parallel_loop3A_260, %parallel_loop3A_265 : vector<16xi1>, vector<16xf32>
      %parallel_loop3A_267 = arith.addf %parallel_loop3A_250, %parallel_loop3A_266 : vector<16xf32>
      %parallel_loop3A_268 = arith.constant 16 : i32
      %parallel_loop3A_269 = arith.muli %parallel_loop3A_106, %parallel_loop3A_268 : i32
      %parallel_loop3A_270 = arith.constant 9 : i32
      %parallel_loop3A_271 = arith.addi %parallel_loop3A_269, %parallel_loop3A_270 : i32
      %parallel_loop3A_272 = arith.constant 16 : i32
      %parallel_loop3A_273 = arith.muli %parallel_loop3A_106, %parallel_loop3A_272 : i32
      %parallel_loop3A_274 = arith.index_cast %parallel_loop3A_271 : i32 to index
      %parallel_loop3A_275 = arith.index_cast %parallel_loop3A_273 : i32 to index
      %parallel_loop3A_276 = tpu.vector_load %arg6[%parallel_loop3A_274, %parallel_loop3A_275] {strides = array<i32>} : memref<128x128xf32, #tpu.memory_space<vmem>>, vector<1x16xf32>,
      %parallel_loop3A_277 = vector.shape_cast %parallel_loop3A_276 : vector<1x16xf32> to vector<16xf32>
      %parallel_loop3A_278 = arith.constant 9 : i32
      %parallel_loop3A_279 = vector.broadcast %parallel_loop3A_278 : i32 to vector<16xi32>
      %parallel_loop3A_280 = arith.cmpi eq, %iota3A, %parallel_loop3A_279 : vector<16xi32>
      %parallel_loop3A_281 = arith.constant 0.000000e+00 : f32
      %parallel_loop3A_282 = vector.broadcast %parallel_loop3A_281 : f32 to vector<16xf32>
      %parallel_loop3A_283 = arith.select %parallel_loop3A_280, %parallel_loop3A_277, %parallel_loop3A_282 : vector<16xi1>, vector<16xf32>
      %parallel_loop3A_284 = arith.addf %parallel_loop3A_267, %parallel_loop3A_283 : vector<16xf32>
      %parallel_loop3A_285 = arith.constant 16 : i32
      %parallel_loop3A_286 = arith.muli %parallel_loop3A_106, %parallel_loop3A_285 : i32
      %parallel_loop3A_287 = arith.constant 10 : i32
      %parallel_loop3A_288 = arith.addi %parallel_loop3A_286, %parallel_loop3A_287 : i32
      %parallel_loop3A_289 = arith.constant 16 : i32
      %parallel_loop3A_290 = arith.muli %parallel_loop3A_106, %parallel_loop3A_289 : i32
      %parallel_loop3A_291 = arith.index_cast %parallel_loop3A_288 : i32 to index
      %parallel_loop3A_292 = arith.index_cast %parallel_loop3A_290 : i32 to index
      %parallel_loop3A_293 = tpu.vector_load %arg6[%parallel_loop3A_291, %parallel_loop3A_292] {strides = array<i32>} : memref<128x128xf32, #tpu.memory_space<vmem>>, vector<1x16xf32>,
      %parallel_loop3A_294 = vector.shape_cast %parallel_loop3A_293 : vector<1x16xf32> to vector<16xf32>
      %parallel_loop3A_295 = arith.constant 10 : i32
      %parallel_loop3A_296 = vector.broadcast %parallel_loop3A_295 : i32 to vector<16xi32>
      %parallel_loop3A_297 = arith.cmpi eq, %iota3A, %parallel_loop3A_296 : vector<16xi32>
      %parallel_loop3A_298 = arith.constant 0.000000e+00 : f32
      %parallel_loop3A_299 = vector.broadcast %parallel_loop3A_298 : f32 to vector<16xf32>
      %parallel_loop3A_300 = arith.select %parallel_loop3A_297, %parallel_loop3A_294, %parallel_loop3A_299 : vector<16xi1>, vector<16xf32>
      %parallel_loop3A_301 = arith.addf %parallel_loop3A_284, %parallel_loop3A_300 : vector<16xf32>
      %parallel_loop3A_302 = arith.constant 16 : i32
      %parallel_loop3A_303 = arith.muli %parallel_loop3A_106, %parallel_loop3A_302 : i32
      %parallel_loop3A_304 = arith.constant 11 : i32
      %parallel_loop3A_305 = arith.addi %parallel_loop3A_303, %parallel_loop3A_304 : i32
      %parallel_loop3A_306 = arith.constant 16 : i32
      %parallel_loop3A_307 = arith.muli %parallel_loop3A_106, %parallel_loop3A_306 : i32
      %parallel_loop3A_308 = arith.index_cast %parallel_loop3A_305 : i32 to index
      %parallel_loop3A_309 = arith.index_cast %parallel_loop3A_307 : i32 to index
      %parallel_loop3A_310 = tpu.vector_load %arg6[%parallel_loop3A_308, %parallel_loop3A_309] {strides = array<i32>} : memref<128x128xf32, #tpu.memory_space<vmem>>, vector<1x16xf32>,
      %parallel_loop3A_311 = vector.shape_cast %parallel_loop3A_310 : vector<1x16xf32> to vector<16xf32>
      %parallel_loop3A_312 = arith.constant 11 : i32
      %parallel_loop3A_313 = vector.broadcast %parallel_loop3A_312 : i32 to vector<16xi32>
      %parallel_loop3A_314 = arith.cmpi eq, %iota3A, %parallel_loop3A_313 : vector<16xi32>
      %parallel_loop3A_315 = arith.constant 0.000000e+00 : f32
      %parallel_loop3A_316 = vector.broadcast %parallel_loop3A_315 : f32 to vector<16xf32>
      %parallel_loop3A_317 = arith.select %parallel_loop3A_314, %parallel_loop3A_311, %parallel_loop3A_316 : vector<16xi1>, vector<16xf32>
      %parallel_loop3A_318 = arith.addf %parallel_loop3A_301, %parallel_loop3A_317 : vector<16xf32>
      %parallel_loop3A_319 = arith.constant 16 : i32
      %parallel_loop3A_320 = arith.muli %parallel_loop3A_106, %parallel_loop3A_319 : i32
      %parallel_loop3A_321 = arith.constant 12 : i32
      %parallel_loop3A_322 = arith.addi %parallel_loop3A_320, %parallel_loop3A_321 : i32
      %parallel_loop3A_323 = arith.constant 16 : i32
      %parallel_loop3A_324 = arith.muli %parallel_loop3A_106, %parallel_loop3A_323 : i32
      %parallel_loop3A_325 = arith.index_cast %parallel_loop3A_322 : i32 to index
      %parallel_loop3A_326 = arith.index_cast %parallel_loop3A_324 : i32 to index
      %parallel_loop3A_327 = tpu.vector_load %arg6[%parallel_loop3A_325, %parallel_loop3A_326] {strides = array<i32>} : memref<128x128xf32, #tpu.memory_space<vmem>>, vector<1x16xf32>,
      %parallel_loop3A_328 = vector.shape_cast %parallel_loop3A_327 : vector<1x16xf32> to vector<16xf32>
      %parallel_loop3A_329 = arith.constant 12 : i32
      %parallel_loop3A_330 = vector.broadcast %parallel_loop3A_329 : i32 to vector<16xi32>
      %parallel_loop3A_331 = arith.cmpi eq, %iota3A, %parallel_loop3A_330 : vector<16xi32>
      %parallel_loop3A_332 = arith.constant 0.000000e+00 : f32
      %parallel_loop3A_333 = vector.broadcast %parallel_loop3A_332 : f32 to vector<16xf32>
      %parallel_loop3A_334 = arith.select %parallel_loop3A_331, %parallel_loop3A_328, %parallel_loop3A_333 : vector<16xi1>, vector<16xf32>
      %parallel_loop3A_335 = arith.addf %parallel_loop3A_318, %parallel_loop3A_334 : vector<16xf32>
      %parallel_loop3A_336 = arith.constant 16 : i32
      %parallel_loop3A_337 = arith.muli %parallel_loop3A_106, %parallel_loop3A_336 : i32
      %parallel_loop3A_338 = arith.constant 13 : i32
      %parallel_loop3A_339 = arith.addi %parallel_loop3A_337, %parallel_loop3A_338 : i32
      %parallel_loop3A_340 = arith.constant 16 : i32
      %parallel_loop3A_341 = arith.muli %parallel_loop3A_106, %parallel_loop3A_340 : i32
      %parallel_loop3A_342 = arith.index_cast %parallel_loop3A_339 : i32 to index
      %parallel_loop3A_343 = arith.index_cast %parallel_loop3A_341 : i32 to index
      %parallel_loop3A_344 = tpu.vector_load %arg6[%parallel_loop3A_342, %parallel_loop3A_343] {strides = array<i32>} : memref<128x128xf32, #tpu.memory_space<vmem>>, vector<1x16xf32>,
      %parallel_loop3A_345 = vector.shape_cast %parallel_loop3A_344 : vector<1x16xf32> to vector<16xf32>
      %parallel_loop3A_346 = arith.constant 13 : i32
      %parallel_loop3A_347 = vector.broadcast %parallel_loop3A_346 : i32 to vector<16xi32>
      %parallel_loop3A_348 = arith.cmpi eq, %iota3A, %parallel_loop3A_347 : vector<16xi32>
      %parallel_loop3A_349 = arith.constant 0.000000e+00 : f32
      %parallel_loop3A_350 = vector.broadcast %parallel_loop3A_349 : f32 to vector<16xf32>
      %parallel_loop3A_351 = arith.select %parallel_loop3A_348, %parallel_loop3A_345, %parallel_loop3A_350 : vector<16xi1>, vector<16xf32>
      %parallel_loop3A_352 = arith.addf %parallel_loop3A_335, %parallel_loop3A_351 : vector<16xf32>
      %parallel_loop3A_353 = arith.constant 16 : i32
      %parallel_loop3A_354 = arith.muli %parallel_loop3A_106, %parallel_loop3A_353 : i32
      %parallel_loop3A_355 = arith.constant 14 : i32
      %parallel_loop3A_356 = arith.addi %parallel_loop3A_354, %parallel_loop3A_355 : i32
      %parallel_loop3A_357 = arith.constant 16 : i32
      %parallel_loop3A_358 = arith.muli %parallel_loop3A_106, %parallel_loop3A_357 : i32
      %parallel_loop3A_359 = arith.index_cast %parallel_loop3A_356 : i32 to index
      %parallel_loop3A_360 = arith.index_cast %parallel_loop3A_358 : i32 to index
      %parallel_loop3A_361 = tpu.vector_load %arg6[%parallel_loop3A_359, %parallel_loop3A_360] {strides = array<i32>} : memref<128x128xf32, #tpu.memory_space<vmem>>, vector<1x16xf32>,
      %parallel_loop3A_362 = vector.shape_cast %parallel_loop3A_361 : vector<1x16xf32> to vector<16xf32>
      %parallel_loop3A_363 = arith.constant 14 : i32
      %parallel_loop3A_364 = vector.broadcast %parallel_loop3A_363 : i32 to vector<16xi32>
      %parallel_loop3A_365 = arith.cmpi eq, %iota3A, %parallel_loop3A_364 : vector<16xi32>
      %parallel_loop3A_366 = arith.constant 0.000000e+00 : f32
      %parallel_loop3A_367 = vector.broadcast %parallel_loop3A_366 : f32 to vector<16xf32>
      %parallel_loop3A_368 = arith.select %parallel_loop3A_365, %parallel_loop3A_362, %parallel_loop3A_367 : vector<16xi1>, vector<16xf32>
      %parallel_loop3A_369 = arith.addf %parallel_loop3A_352, %parallel_loop3A_368 : vector<16xf32>
      %parallel_loop3A_370 = arith.constant 16 : i32
      %parallel_loop3A_371 = arith.muli %parallel_loop3A_106, %parallel_loop3A_370 : i32
      %parallel_loop3A_372 = arith.constant 15 : i32
      %parallel_loop3A_373 = arith.addi %parallel_loop3A_371, %parallel_loop3A_372 : i32
      %parallel_loop3A_374 = arith.constant 16 : i32
      %parallel_loop3A_375 = arith.muli %parallel_loop3A_106, %parallel_loop3A_374 : i32
      %parallel_loop3A_376 = arith.index_cast %parallel_loop3A_373 : i32 to index
      %parallel_loop3A_377 = arith.index_cast %parallel_loop3A_375 : i32 to index
      %parallel_loop3A_378 = tpu.vector_load %arg6[%parallel_loop3A_376, %parallel_loop3A_377] {strides = array<i32>} : memref<128x128xf32, #tpu.memory_space<vmem>>, vector<1x16xf32>,
      %parallel_loop3A_379 = vector.shape_cast %parallel_loop3A_378 : vector<1x16xf32> to vector<16xf32>
      %parallel_loop3A_380 = arith.constant 15 : i32
      %parallel_loop3A_381 = vector.broadcast %parallel_loop3A_380 : i32 to vector<16xi32>
      %parallel_loop3A_382 = arith.cmpi eq, %iota3A, %parallel_loop3A_381 : vector<16xi32>
      %parallel_loop3A_383 = arith.constant 0.000000e+00 : f32
      %parallel_loop3A_384 = vector.broadcast %parallel_loop3A_383 : f32 to vector<16xf32>
      %parallel_loop3A_385 = arith.select %parallel_loop3A_382, %parallel_loop3A_379, %parallel_loop3A_384 : vector<16xi1>, vector<16xf32>
      %parallel_loop3A_386 = arith.addf %parallel_loop3A_369, %parallel_loop3A_385 : vector<16xf32>
      %parallel_loop3A_387 = arith.constant 0 : i32
      %parallel_loop3A_388 = vector.broadcast %parallel_loop3A_387 : i32 to vector<16xi32>
      %parallel_loop3A_389 = arith.cmpi sgt, %parallel_loop3A_112, %parallel_loop3A_388 : vector<16xi32>
      %parallel_loop3A_390 = arith.constant 0.000000e+00 : f32
      %parallel_loop3A_391 = vector.broadcast %parallel_loop3A_390 : f32 to vector<16xf32>
      %parallel_loop3A_392 = arith.select %parallel_loop3A_389, %parallel_loop3A_386, %parallel_loop3A_391 : vector<16xi1>, vector<16xf32>
      %parallel_loop3A_393 = arith.addf %parallel_loop3A_107, %parallel_loop3A_392 : vector<16xf32>
      scf.yield %parallel_loop3A_393 : vector<16xf32>
    } {sc.loop_unroll_factor = 1 : i64, sc.parallel_access}
    %dma_wait3A_79 = arith.constant 64 : i32
    %dma_wait3A_80 = arith.constant 0 : i32
    %dma_wait3A_81 = tpu.memref_slice %arg6[%dma_wait3A_79, %dma_wait3A_80] : memref<128x128xf32, #tpu.memory_space<vmem>> -> memref<32x128xf32, #tpu.memory_space<vmem>>
    %dma_wait3A_82 = arith.constant 64 : i32
    %dma_wait3A_83 = tpu.memref_slice %arg5[%dma_wait3A_82] : memref<128xi32, #tpu.memory_space<vmem>> -> memref<32xi32, #tpu.memory_space<vmem>>
    %dma_wait3A_84 = arith.constant 0 : i32
    %dma_wait3A_85 = tpu.memref_slice %arg2[%dma_wait3A_84, %multiple_of3A] : memref<100000x4096xf32, #tpu.memory_space<hbm>> -> memref<100000x128xf32, #tpu.memory_space<hbm>>
    tpu.wait_indirect_dma semaphore(%arg12 : memref<!tpu.dma_semaphore, #tpu.memory_space<semaphore_mem>>) src(%dma_wait3A_85 : memref<100000x128xf32, #tpu.memory_space<hbm>>) dst(%dma_wait3A_81 : memref<32x128xf32, #tpu.memory_space<vmem>>)
    %parallel_loop3A_86 = arith.constant 4 : i32
    %parallel_loop3A_87 = arith.constant 6 : i32
    %parallel_loop3A_88 = arith.constant 1 : i32
    %parallel_loop3A_89 = scf.for %parallel_loop3A_106 = %parallel_loop3A_86 to %parallel_loop3A_87 step %parallel_loop3A_88 iter_args(%parallel_loop3A_107 = %parallel_loop3A_78) -> (vector<16xf32>)  : i32 {
      %parallel_loop3A_108 = arith.constant 16 : i32
      %parallel_loop3A_109 = arith.muli %parallel_loop3A_106, %parallel_loop3A_108 : i32
      %parallel_loop3A_110 = arith.index_cast %parallel_loop3A_109 : i32 to index
      %parallel_loop3A_111 = tpu.vector_load %arg5[%parallel_loop3A_110] {strides = array<i32>} : memref<128xi32, #tpu.memory_space<vmem>>, vector<16xi32>,
      %parallel_loop3A_112 = vector.shape_cast %parallel_loop3A_111 : vector<16xi32> to vector<16xi32>
      %parallel_loop3A_113 = arith.constant 0.000000e+00 : f32
      %parallel_loop3A_114 = vector.broadcast %parallel_loop3A_113 : f32 to vector<16xf32>
      %parallel_loop3A_115 = arith.constant 16 : i32
      %parallel_loop3A_116 = arith.muli %parallel_loop3A_106, %parallel_loop3A_115 : i32
      %parallel_loop3A_117 = arith.constant 0 : i32
      %parallel_loop3A_118 = arith.addi %parallel_loop3A_116, %parallel_loop3A_117 : i32
      %parallel_loop3A_119 = arith.constant 16 : i32
      %parallel_loop3A_120 = arith.muli %parallel_loop3A_106, %parallel_loop3A_119 : i32
      %parallel_loop3A_121 = arith.index_cast %parallel_loop3A_118 : i32 to index
      %parallel_loop3A_122 = arith.index_cast %parallel_loop3A_120 : i32 to index
      %parallel_loop3A_123 = tpu.vector_load %arg6[%parallel_loop3A_121, %parallel_loop3A_122] {strides = array<i32>} : memref<128x128xf32, #tpu.memory_space<vmem>>, vector<1x16xf32>,
      %parallel_loop3A_124 = vector.shape_cast %parallel_loop3A_123 : vector<1x16xf32> to vector<16xf32>
      %parallel_loop3A_125 = arith.constant 0 : i32
      %parallel_loop3A_126 = vector.broadcast %parallel_loop3A_125 : i32 to vector<16xi32>
      %parallel_loop3A_127 = arith.cmpi eq, %iota3A, %parallel_loop3A_126 : vector<16xi32>
      %parallel_loop3A_128 = arith.constant 0.000000e+00 : f32
      %parallel_loop3A_129 = vector.broadcast %parallel_loop3A_128 : f32 to vector<16xf32>
      %parallel_loop3A_130 = arith.select %parallel_loop3A_127, %parallel_loop3A_124, %parallel_loop3A_129 : vector<16xi1>, vector<16xf32>
      %parallel_loop3A_131 = arith.addf %parallel_loop3A_114, %parallel_loop3A_130 : vector<16xf32>
      %parallel_loop3A_132 = arith.constant 16 : i32
      %parallel_loop3A_133 = arith.muli %parallel_loop3A_106, %parallel_loop3A_132 : i32
      %parallel_loop3A_134 = arith.constant 1 : i32
      %parallel_loop3A_135 = arith.addi %parallel_loop3A_133, %parallel_loop3A_134 : i32
      %parallel_loop3A_136 = arith.constant 16 : i32
      %parallel_loop3A_137 = arith.muli %parallel_loop3A_106, %parallel_loop3A_136 : i32
      %parallel_loop3A_138 = arith.index_cast %parallel_loop3A_135 : i32 to index
      %parallel_loop3A_139 = arith.index_cast %parallel_loop3A_137 : i32 to index
      %parallel_loop3A_140 = tpu.vector_load %arg6[%parallel_loop3A_138, %parallel_loop3A_139] {strides = array<i32>} : memref<128x128xf32, #tpu.memory_space<vmem>>, vector<1x16xf32>,
      %parallel_loop3A_141 = vector.shape_cast %parallel_loop3A_140 : vector<1x16xf32> to vector<16xf32>
      %parallel_loop3A_142 = arith.constant 1 : i32
      %parallel_loop3A_143 = vector.broadcast %parallel_loop3A_142 : i32 to vector<16xi32>
      %parallel_loop3A_144 = arith.cmpi eq, %iota3A, %parallel_loop3A_143 : vector<16xi32>
      %parallel_loop3A_145 = arith.constant 0.000000e+00 : f32
      %parallel_loop3A_146 = vector.broadcast %parallel_loop3A_145 : f32 to vector<16xf32>
      %parallel_loop3A_147 = arith.select %parallel_loop3A_144, %parallel_loop3A_141, %parallel_loop3A_146 : vector<16xi1>, vector<16xf32>
      %parallel_loop3A_148 = arith.addf %parallel_loop3A_131, %parallel_loop3A_147 : vector<16xf32>
      %parallel_loop3A_149 = arith.constant 16 : i32
      %parallel_loop3A_150 = arith.muli %parallel_loop3A_106, %parallel_loop3A_149 : i32
      %parallel_loop3A_151 = arith.constant 2 : i32
      %parallel_loop3A_152 = arith.addi %parallel_loop3A_150, %parallel_loop3A_151 : i32
      %parallel_loop3A_153 = arith.constant 16 : i32
      %parallel_loop3A_154 = arith.muli %parallel_loop3A_106, %parallel_loop3A_153 : i32
      %parallel_loop3A_155 = arith.index_cast %parallel_loop3A_152 : i32 to index
      %parallel_loop3A_156 = arith.index_cast %parallel_loop3A_154 : i32 to index
      %parallel_loop3A_157 = tpu.vector_load %arg6[%parallel_loop3A_155, %parallel_loop3A_156] {strides = array<i32>} : memref<128x128xf32, #tpu.memory_space<vmem>>, vector<1x16xf32>,
      %parallel_loop3A_158 = vector.shape_cast %parallel_loop3A_157 : vector<1x16xf32> to vector<16xf32>
      %parallel_loop3A_159 = arith.constant 2 : i32
      %parallel_loop3A_160 = vector.broadcast %parallel_loop3A_159 : i32 to vector<16xi32>
      %parallel_loop3A_161 = arith.cmpi eq, %iota3A, %parallel_loop3A_160 : vector<16xi32>
      %parallel_loop3A_162 = arith.constant 0.000000e+00 : f32
      %parallel_loop3A_163 = vector.broadcast %parallel_loop3A_162 : f32 to vector<16xf32>
      %parallel_loop3A_164 = arith.select %parallel_loop3A_161, %parallel_loop3A_158, %parallel_loop3A_163 : vector<16xi1>, vector<16xf32>
      %parallel_loop3A_165 = arith.addf %parallel_loop3A_148, %parallel_loop3A_164 : vector<16xf32>
      %parallel_loop3A_166 = arith.constant 16 : i32
      %parallel_loop3A_167 = arith.muli %parallel_loop3A_106, %parallel_loop3A_166 : i32
      %parallel_loop3A_168 = arith.constant 3 : i32
      %parallel_loop3A_169 = arith.addi %parallel_loop3A_167, %parallel_loop3A_168 : i32
      %parallel_loop3A_170 = arith.constant 16 : i32
      %parallel_loop3A_171 = arith.muli %parallel_loop3A_106, %parallel_loop3A_170 : i32
      %parallel_loop3A_172 = arith.index_cast %parallel_loop3A_169 : i32 to index
      %parallel_loop3A_173 = arith.index_cast %parallel_loop3A_171 : i32 to index
      %parallel_loop3A_174 = tpu.vector_load %arg6[%parallel_loop3A_172, %parallel_loop3A_173] {strides = array<i32>} : memref<128x128xf32, #tpu.memory_space<vmem>>, vector<1x16xf32>,
      %parallel_loop3A_175 = vector.shape_cast %parallel_loop3A_174 : vector<1x16xf32> to vector<16xf32>
      %parallel_loop3A_176 = arith.constant 3 : i32
      %parallel_loop3A_177 = vector.broadcast %parallel_loop3A_176 : i32 to vector<16xi32>
      %parallel_loop3A_178 = arith.cmpi eq, %iota3A, %parallel_loop3A_177 : vector<16xi32>
      %parallel_loop3A_179 = arith.constant 0.000000e+00 : f32
      %parallel_loop3A_180 = vector.broadcast %parallel_loop3A_179 : f32 to vector<16xf32>
      %parallel_loop3A_181 = arith.select %parallel_loop3A_178, %parallel_loop3A_175, %parallel_loop3A_180 : vector<16xi1>, vector<16xf32>
      %parallel_loop3A_182 = arith.addf %parallel_loop3A_165, %parallel_loop3A_181 : vector<16xf32>
      %parallel_loop3A_183 = arith.constant 16 : i32
      %parallel_loop3A_184 = arith.muli %parallel_loop3A_106, %parallel_loop3A_183 : i32
      %parallel_loop3A_185 = arith.constant 4 : i32
      %parallel_loop3A_186 = arith.addi %parallel_loop3A_184, %parallel_loop3A_185 : i32
      %parallel_loop3A_187 = arith.constant 16 : i32
      %parallel_loop3A_188 = arith.muli %parallel_loop3A_106, %parallel_loop3A_187 : i32
      %parallel_loop3A_189 = arith.index_cast %parallel_loop3A_186 : i32 to index
      %parallel_loop3A_190 = arith.index_cast %parallel_loop3A_188 : i32 to index
      %parallel_loop3A_191 = tpu.vector_load %arg6[%parallel_loop3A_189, %parallel_loop3A_190] {strides = array<i32>} : memref<128x128xf32, #tpu.memory_space<vmem>>, vector<1x16xf32>,
      %parallel_loop3A_192 = vector.shape_cast %parallel_loop3A_191 : vector<1x16xf32> to vector<16xf32>
      %parallel_loop3A_193 = arith.constant 4 : i32
      %parallel_loop3A_194 = vector.broadcast %parallel_loop3A_193 : i32 to vector<16xi32>
      %parallel_loop3A_195 = arith.cmpi eq, %iota3A, %parallel_loop3A_194 : vector<16xi32>
      %parallel_loop3A_196 = arith.constant 0.000000e+00 : f32
      %parallel_loop3A_197 = vector.broadcast %parallel_loop3A_196 : f32 to vector<16xf32>
      %parallel_loop3A_198 = arith.select %parallel_loop3A_195, %parallel_loop3A_192, %parallel_loop3A_197 : vector<16xi1>, vector<16xf32>
      %parallel_loop3A_199 = arith.addf %parallel_loop3A_182, %parallel_loop3A_198 : vector<16xf32>
      %parallel_loop3A_200 = arith.constant 16 : i32
      %parallel_loop3A_201 = arith.muli %parallel_loop3A_106, %parallel_loop3A_200 : i32
      %parallel_loop3A_202 = arith.constant 5 : i32
      %parallel_loop3A_203 = arith.addi %parallel_loop3A_201, %parallel_loop3A_202 : i32
      %parallel_loop3A_204 = arith.constant 16 : i32
      %parallel_loop3A_205 = arith.muli %parallel_loop3A_106, %parallel_loop3A_204 : i32
      %parallel_loop3A_206 = arith.index_cast %parallel_loop3A_203 : i32 to index
      %parallel_loop3A_207 = arith.index_cast %parallel_loop3A_205 : i32 to index
      %parallel_loop3A_208 = tpu.vector_load %arg6[%parallel_loop3A_206, %parallel_loop3A_207] {strides = array<i32>} : memref<128x128xf32, #tpu.memory_space<vmem>>, vector<1x16xf32>,
      %parallel_loop3A_209 = vector.shape_cast %parallel_loop3A_208 : vector<1x16xf32> to vector<16xf32>
      %parallel_loop3A_210 = arith.constant 5 : i32
      %parallel_loop3A_211 = vector.broadcast %parallel_loop3A_210 : i32 to vector<16xi32>
      %parallel_loop3A_212 = arith.cmpi eq, %iota3A, %parallel_loop3A_211 : vector<16xi32>
      %parallel_loop3A_213 = arith.constant 0.000000e+00 : f32
      %parallel_loop3A_214 = vector.broadcast %parallel_loop3A_213 : f32 to vector<16xf32>
      %parallel_loop3A_215 = arith.select %parallel_loop3A_212, %parallel_loop3A_209, %parallel_loop3A_214 : vector<16xi1>, vector<16xf32>
      %parallel_loop3A_216 = arith.addf %parallel_loop3A_199, %parallel_loop3A_215 : vector<16xf32>
      %parallel_loop3A_217 = arith.constant 16 : i32
      %parallel_loop3A_218 = arith.muli %parallel_loop3A_106, %parallel_loop3A_217 : i32
      %parallel_loop3A_219 = arith.constant 6 : i32
      %parallel_loop3A_220 = arith.addi %parallel_loop3A_218, %parallel_loop3A_219 : i32
      %parallel_loop3A_221 = arith.constant 16 : i32
      %parallel_loop3A_222 = arith.muli %parallel_loop3A_106, %parallel_loop3A_221 : i32
      %parallel_loop3A_223 = arith.index_cast %parallel_loop3A_220 : i32 to index
      %parallel_loop3A_224 = arith.index_cast %parallel_loop3A_222 : i32 to index
      %parallel_loop3A_225 = tpu.vector_load %arg6[%parallel_loop3A_223, %parallel_loop3A_224] {strides = array<i32>} : memref<128x128xf32, #tpu.memory_space<vmem>>, vector<1x16xf32>,
      %parallel_loop3A_226 = vector.shape_cast %parallel_loop3A_225 : vector<1x16xf32> to vector<16xf32>
      %parallel_loop3A_227 = arith.constant 6 : i32
      %parallel_loop3A_228 = vector.broadcast %parallel_loop3A_227 : i32 to vector<16xi32>
      %parallel_loop3A_229 = arith.cmpi eq, %iota3A, %parallel_loop3A_228 : vector<16xi32>
      %parallel_loop3A_230 = arith.constant 0.000000e+00 : f32
      %parallel_loop3A_231 = vector.broadcast %parallel_loop3A_230 : f32 to vector<16xf32>
      %parallel_loop3A_232 = arith.select %parallel_loop3A_229, %parallel_loop3A_226, %parallel_loop3A_231 : vector<16xi1>, vector<16xf32>
      %parallel_loop3A_233 = arith.addf %parallel_loop3A_216, %parallel_loop3A_232 : vector<16xf32>
      %parallel_loop3A_234 = arith.constant 16 : i32
      %parallel_loop3A_235 = arith.muli %parallel_loop3A_106, %parallel_loop3A_234 : i32
      %parallel_loop3A_236 = arith.constant 7 : i32
      %parallel_loop3A_237 = arith.addi %parallel_loop3A_235, %parallel_loop3A_236 : i32
      %parallel_loop3A_238 = arith.constant 16 : i32
      %parallel_loop3A_239 = arith.muli %parallel_loop3A_106, %parallel_loop3A_238 : i32
      %parallel_loop3A_240 = arith.index_cast %parallel_loop3A_237 : i32 to index
      %parallel_loop3A_241 = arith.index_cast %parallel_loop3A_239 : i32 to index
      %parallel_loop3A_242 = tpu.vector_load %arg6[%parallel_loop3A_240, %parallel_loop3A_241] {strides = array<i32>} : memref<128x128xf32, #tpu.memory_space<vmem>>, vector<1x16xf32>,
      %parallel_loop3A_243 = vector.shape_cast %parallel_loop3A_242 : vector<1x16xf32> to vector<16xf32>
      %parallel_loop3A_244 = arith.constant 7 : i32
      %parallel_loop3A_245 = vector.broadcast %parallel_loop3A_244 : i32 to vector<16xi32>
      %parallel_loop3A_246 = arith.cmpi eq, %iota3A, %parallel_loop3A_245 : vector<16xi32>
      %parallel_loop3A_247 = arith.constant 0.000000e+00 : f32
      %parallel_loop3A_248 = vector.broadcast %parallel_loop3A_247 : f32 to vector<16xf32>
      %parallel_loop3A_249 = arith.select %parallel_loop3A_246, %parallel_loop3A_243, %parallel_loop3A_248 : vector<16xi1>, vector<16xf32>
      %parallel_loop3A_250 = arith.addf %parallel_loop3A_233, %parallel_loop3A_249 : vector<16xf32>
      %parallel_loop3A_251 = arith.constant 16 : i32
      %parallel_loop3A_252 = arith.muli %parallel_loop3A_106, %parallel_loop3A_251 : i32
      %parallel_loop3A_253 = arith.constant 8 : i32
      %parallel_loop3A_254 = arith.addi %parallel_loop3A_252, %parallel_loop3A_253 : i32
      %parallel_loop3A_255 = arith.constant 16 : i32
      %parallel_loop3A_256 = arith.muli %parallel_loop3A_106, %parallel_loop3A_255 : i32
      %parallel_loop3A_257 = arith.index_cast %parallel_loop3A_254 : i32 to index
      %parallel_loop3A_258 = arith.index_cast %parallel_loop3A_256 : i32 to index
      %parallel_loop3A_259 = tpu.vector_load %arg6[%parallel_loop3A_257, %parallel_loop3A_258] {strides = array<i32>} : memref<128x128xf32, #tpu.memory_space<vmem>>, vector<1x16xf32>,
      %parallel_loop3A_260 = vector.shape_cast %parallel_loop3A_259 : vector<1x16xf32> to vector<16xf32>
      %parallel_loop3A_261 = arith.constant 8 : i32
      %parallel_loop3A_262 = vector.broadcast %parallel_loop3A_261 : i32 to vector<16xi32>
      %parallel_loop3A_263 = arith.cmpi eq, %iota3A, %parallel_loop3A_262 : vector<16xi32>
      %parallel_loop3A_264 = arith.constant 0.000000e+00 : f32
      %parallel_loop3A_265 = vector.broadcast %parallel_loop3A_264 : f32 to vector<16xf32>
      %parallel_loop3A_266 = arith.select %parallel_loop3A_263, %parallel_loop3A_260, %parallel_loop3A_265 : vector<16xi1>, vector<16xf32>
      %parallel_loop3A_267 = arith.addf %parallel_loop3A_250, %parallel_loop3A_266 : vector<16xf32>
      %parallel_loop3A_268 = arith.constant 16 : i32
      %parallel_loop3A_269 = arith.muli %parallel_loop3A_106, %parallel_loop3A_268 : i32
      %parallel_loop3A_270 = arith.constant 9 : i32
      %parallel_loop3A_271 = arith.addi %parallel_loop3A_269, %parallel_loop3A_270 : i32
      %parallel_loop3A_272 = arith.constant 16 : i32
      %parallel_loop3A_273 = arith.muli %parallel_loop3A_106, %parallel_loop3A_272 : i32
      %parallel_loop3A_274 = arith.index_cast %parallel_loop3A_271 : i32 to index
      %parallel_loop3A_275 = arith.index_cast %parallel_loop3A_273 : i32 to index
      %parallel_loop3A_276 = tpu.vector_load %arg6[%parallel_loop3A_274, %parallel_loop3A_275] {strides = array<i32>} : memref<128x128xf32, #tpu.memory_space<vmem>>, vector<1x16xf32>,
      %parallel_loop3A_277 = vector.shape_cast %parallel_loop3A_276 : vector<1x16xf32> to vector<16xf32>
      %parallel_loop3A_278 = arith.constant 9 : i32
      %parallel_loop3A_279 = vector.broadcast %parallel_loop3A_278 : i32 to vector<16xi32>
      %parallel_loop3A_280 = arith.cmpi eq, %iota3A, %parallel_loop3A_279 : vector<16xi32>
      %parallel_loop3A_281 = arith.constant 0.000000e+00 : f32
      %parallel_loop3A_282 = vector.broadcast %parallel_loop3A_281 : f32 to vector<16xf32>
      %parallel_loop3A_283 = arith.select %parallel_loop3A_280, %parallel_loop3A_277, %parallel_loop3A_282 : vector<16xi1>, vector<16xf32>
      %parallel_loop3A_284 = arith.addf %parallel_loop3A_267, %parallel_loop3A_283 : vector<16xf32>
      %parallel_loop3A_285 = arith.constant 16 : i32
      %parallel_loop3A_286 = arith.muli %parallel_loop3A_106, %parallel_loop3A_285 : i32
      %parallel_loop3A_287 = arith.constant 10 : i32
      %parallel_loop3A_288 = arith.addi %parallel_loop3A_286, %parallel_loop3A_287 : i32
      %parallel_loop3A_289 = arith.constant 16 : i32
      %parallel_loop3A_290 = arith.muli %parallel_loop3A_106, %parallel_loop3A_289 : i32
      %parallel_loop3A_291 = arith.index_cast %parallel_loop3A_288 : i32 to index
      %parallel_loop3A_292 = arith.index_cast %parallel_loop3A_290 : i32 to index
      %parallel_loop3A_293 = tpu.vector_load %arg6[%parallel_loop3A_291, %parallel_loop3A_292] {strides = array<i32>} : memref<128x128xf32, #tpu.memory_space<vmem>>, vector<1x16xf32>,
      %parallel_loop3A_294 = vector.shape_cast %parallel_loop3A_293 : vector<1x16xf32> to vector<16xf32>
      %parallel_loop3A_295 = arith.constant 10 : i32
      %parallel_loop3A_296 = vector.broadcast %parallel_loop3A_295 : i32 to vector<16xi32>
      %parallel_loop3A_297 = arith.cmpi eq, %iota3A, %parallel_loop3A_296 : vector<16xi32>
      %parallel_loop3A_298 = arith.constant 0.000000e+00 : f32
      %parallel_loop3A_299 = vector.broadcast %parallel_loop3A_298 : f32 to vector<16xf32>
      %parallel_loop3A_300 = arith.select %parallel_loop3A_297, %parallel_loop3A_294, %parallel_loop3A_299 : vector<16xi1>, vector<16xf32>
      %parallel_loop3A_301 = arith.addf %parallel_loop3A_284, %parallel_loop3A_300 : vector<16xf32>
      %parallel_loop3A_302 = arith.constant 16 : i32
      %parallel_loop3A_303 = arith.muli %parallel_loop3A_106, %parallel_loop3A_302 : i32
      %parallel_loop3A_304 = arith.constant 11 : i32
      %parallel_loop3A_305 = arith.addi %parallel_loop3A_303, %parallel_loop3A_304 : i32
      %parallel_loop3A_306 = arith.constant 16 : i32
      %parallel_loop3A_307 = arith.muli %parallel_loop3A_106, %parallel_loop3A_306 : i32
      %parallel_loop3A_308 = arith.index_cast %parallel_loop3A_305 : i32 to index
      %parallel_loop3A_309 = arith.index_cast %parallel_loop3A_307 : i32 to index
      %parallel_loop3A_310 = tpu.vector_load %arg6[%parallel_loop3A_308, %parallel_loop3A_309] {strides = array<i32>} : memref<128x128xf32, #tpu.memory_space<vmem>>, vector<1x16xf32>,
      %parallel_loop3A_311 = vector.shape_cast %parallel_loop3A_310 : vector<1x16xf32> to vector<16xf32>
      %parallel_loop3A_312 = arith.constant 11 : i32
      %parallel_loop3A_313 = vector.broadcast %parallel_loop3A_312 : i32 to vector<16xi32>
      %parallel_loop3A_314 = arith.cmpi eq, %iota3A, %parallel_loop3A_313 : vector<16xi32>
      %parallel_loop3A_315 = arith.constant 0.000000e+00 : f32
      %parallel_loop3A_316 = vector.broadcast %parallel_loop3A_315 : f32 to vector<16xf32>
      %parallel_loop3A_317 = arith.select %parallel_loop3A_314, %parallel_loop3A_311, %parallel_loop3A_316 : vector<16xi1>, vector<16xf32>
      %parallel_loop3A_318 = arith.addf %parallel_loop3A_301, %parallel_loop3A_317 : vector<16xf32>
      %parallel_loop3A_319 = arith.constant 16 : i32
      %parallel_loop3A_320 = arith.muli %parallel_loop3A_106, %parallel_loop3A_319 : i32
      %parallel_loop3A_321 = arith.constant 12 : i32
      %parallel_loop3A_322 = arith.addi %parallel_loop3A_320, %parallel_loop3A_321 : i32
      %parallel_loop3A_323 = arith.constant 16 : i32
      %parallel_loop3A_324 = arith.muli %parallel_loop3A_106, %parallel_loop3A_323 : i32
      %parallel_loop3A_325 = arith.index_cast %parallel_loop3A_322 : i32 to index
      %parallel_loop3A_326 = arith.index_cast %parallel_loop3A_324 : i32 to index
      %parallel_loop3A_327 = tpu.vector_load %arg6[%parallel_loop3A_325, %parallel_loop3A_326] {strides = array<i32>} : memref<128x128xf32, #tpu.memory_space<vmem>>, vector<1x16xf32>,
      %parallel_loop3A_328 = vector.shape_cast %parallel_loop3A_327 : vector<1x16xf32> to vector<16xf32>
      %parallel_loop3A_329 = arith.constant 12 : i32
      %parallel_loop3A_330 = vector.broadcast %parallel_loop3A_329 : i32 to vector<16xi32>
      %parallel_loop3A_331 = arith.cmpi eq, %iota3A, %parallel_loop3A_330 : vector<16xi32>
      %parallel_loop3A_332 = arith.constant 0.000000e+00 : f32
      %parallel_loop3A_333 = vector.broadcast %parallel_loop3A_332 : f32 to vector<16xf32>
      %parallel_loop3A_334 = arith.select %parallel_loop3A_331, %parallel_loop3A_328, %parallel_loop3A_333 : vector<16xi1>, vector<16xf32>
      %parallel_loop3A_335 = arith.addf %parallel_loop3A_318, %parallel_loop3A_334 : vector<16xf32>
      %parallel_loop3A_336 = arith.constant 16 : i32
      %parallel_loop3A_337 = arith.muli %parallel_loop3A_106, %parallel_loop3A_336 : i32
      %parallel_loop3A_338 = arith.constant 13 : i32
      %parallel_loop3A_339 = arith.addi %parallel_loop3A_337, %parallel_loop3A_338 : i32
      %parallel_loop3A_340 = arith.constant 16 : i32
      %parallel_loop3A_341 = arith.muli %parallel_loop3A_106, %parallel_loop3A_340 : i32
      %parallel_loop3A_342 = arith.index_cast %parallel_loop3A_339 : i32 to index
      %parallel_loop3A_343 = arith.index_cast %parallel_loop3A_341 : i32 to index
      %parallel_loop3A_344 = tpu.vector_load %arg6[%parallel_loop3A_342, %parallel_loop3A_343] {strides = array<i32>} : memref<128x128xf32, #tpu.memory_space<vmem>>, vector<1x16xf32>,
      %parallel_loop3A_345 = vector.shape_cast %parallel_loop3A_344 : vector<1x16xf32> to vector<16xf32>
      %parallel_loop3A_346 = arith.constant 13 : i32
      %parallel_loop3A_347 = vector.broadcast %parallel_loop3A_346 : i32 to vector<16xi32>
      %parallel_loop3A_348 = arith.cmpi eq, %iota3A, %parallel_loop3A_347 : vector<16xi32>
      %parallel_loop3A_349 = arith.constant 0.000000e+00 : f32
      %parallel_loop3A_350 = vector.broadcast %parallel_loop3A_349 : f32 to vector<16xf32>
      %parallel_loop3A_351 = arith.select %parallel_loop3A_348, %parallel_loop3A_345, %parallel_loop3A_350 : vector<16xi1>, vector<16xf32>
      %parallel_loop3A_352 = arith.addf %parallel_loop3A_335, %parallel_loop3A_351 : vector<16xf32>
      %parallel_loop3A_353 = arith.constant 16 : i32
      %parallel_loop3A_354 = arith.muli %parallel_loop3A_106, %parallel_loop3A_353 : i32
      %parallel_loop3A_355 = arith.constant 14 : i32
      %parallel_loop3A_356 = arith.addi %parallel_loop3A_354, %parallel_loop3A_355 : i32
      %parallel_loop3A_357 = arith.constant 16 : i32
      %parallel_loop3A_358 = arith.muli %parallel_loop3A_106, %parallel_loop3A_357 : i32
      %parallel_loop3A_359 = arith.index_cast %parallel_loop3A_356 : i32 to index
      %parallel_loop3A_360 = arith.index_cast %parallel_loop3A_358 : i32 to index
      %parallel_loop3A_361 = tpu.vector_load %arg6[%parallel_loop3A_359, %parallel_loop3A_360] {strides = array<i32>} : memref<128x128xf32, #tpu.memory_space<vmem>>, vector<1x16xf32>,
      %parallel_loop3A_362 = vector.shape_cast %parallel_loop3A_361 : vector<1x16xf32> to vector<16xf32>
      %parallel_loop3A_363 = arith.constant 14 : i32
      %parallel_loop3A_364 = vector.broadcast %parallel_loop3A_363 : i32 to vector<16xi32>
      %parallel_loop3A_365 = arith.cmpi eq, %iota3A, %parallel_loop3A_364 : vector<16xi32>
      %parallel_loop3A_366 = arith.constant 0.000000e+00 : f32
      %parallel_loop3A_367 = vector.broadcast %parallel_loop3A_366 : f32 to vector<16xf32>
      %parallel_loop3A_368 = arith.select %parallel_loop3A_365, %parallel_loop3A_362, %parallel_loop3A_367 : vector<16xi1>, vector<16xf32>
      %parallel_loop3A_369 = arith.addf %parallel_loop3A_352, %parallel_loop3A_368 : vector<16xf32>
      %parallel_loop3A_370 = arith.constant 16 : i32
      %parallel_loop3A_371 = arith.muli %parallel_loop3A_106, %parallel_loop3A_370 : i32
      %parallel_loop3A_372 = arith.constant 15 : i32
      %parallel_loop3A_373 = arith.addi %parallel_loop3A_371, %parallel_loop3A_372 : i32
      %parallel_loop3A_374 = arith.constant 16 : i32
      %parallel_loop3A_375 = arith.muli %parallel_loop3A_106, %parallel_loop3A_374 : i32
      %parallel_loop3A_376 = arith.index_cast %parallel_loop3A_373 : i32 to index
      %parallel_loop3A_377 = arith.index_cast %parallel_loop3A_375 : i32 to index
      %parallel_loop3A_378 = tpu.vector_load %arg6[%parallel_loop3A_376, %parallel_loop3A_377] {strides = array<i32>} : memref<128x128xf32, #tpu.memory_space<vmem>>, vector<1x16xf32>,
      %parallel_loop3A_379 = vector.shape_cast %parallel_loop3A_378 : vector<1x16xf32> to vector<16xf32>
      %parallel_loop3A_380 = arith.constant 15 : i32
      %parallel_loop3A_381 = vector.broadcast %parallel_loop3A_380 : i32 to vector<16xi32>
      %parallel_loop3A_382 = arith.cmpi eq, %iota3A, %parallel_loop3A_381 : vector<16xi32>
      %parallel_loop3A_383 = arith.constant 0.000000e+00 : f32
      %parallel_loop3A_384 = vector.broadcast %parallel_loop3A_383 : f32 to vector<16xf32>
      %parallel_loop3A_385 = arith.select %parallel_loop3A_382, %parallel_loop3A_379, %parallel_loop3A_384 : vector<16xi1>, vector<16xf32>
      %parallel_loop3A_386 = arith.addf %parallel_loop3A_369, %parallel_loop3A_385 : vector<16xf32>
      %parallel_loop3A_387 = arith.constant 0 : i32
      %parallel_loop3A_388 = vector.broadcast %parallel_loop3A_387 : i32 to vector<16xi32>
      %parallel_loop3A_389 = arith.cmpi sgt, %parallel_loop3A_112, %parallel_loop3A_388 : vector<16xi32>
      %parallel_loop3A_390 = arith.constant 0.000000e+00 : f32
      %parallel_loop3A_391 = vector.broadcast %parallel_loop3A_390 : f32 to vector<16xf32>
      %parallel_loop3A_392 = arith.select %parallel_loop3A_389, %parallel_loop3A_386, %parallel_loop3A_391 : vector<16xi1>, vector<16xf32>
      %parallel_loop3A_393 = arith.addf %parallel_loop3A_107, %parallel_loop3A_392 : vector<16xf32>
      scf.yield %parallel_loop3A_393 : vector<16xf32>
    } {sc.loop_unroll_factor = 1 : i64, sc.parallel_access}
    %dma_wait3A_90 = arith.constant 96 : i32
    %dma_wait3A_91 = arith.constant 0 : i32
    %dma_wait3A_92 = tpu.memref_slice %arg6[%dma_wait3A_90, %dma_wait3A_91] : memref<128x128xf32, #tpu.memory_space<vmem>> -> memref<32x128xf32, #tpu.memory_space<vmem>>
    %dma_wait3A_93 = arith.constant 96 : i32
    %dma_wait3A_94 = tpu.memref_slice %arg5[%dma_wait3A_93] : memref<128xi32, #tpu.memory_space<vmem>> -> memref<32xi32, #tpu.memory_space<vmem>>
    %dma_wait3A_95 = arith.constant 0 : i32
    %dma_wait3A_96 = tpu.memref_slice %arg2[%dma_wait3A_95, %multiple_of3A] : memref<100000x4096xf32, #tpu.memory_space<hbm>> -> memref<100000x128xf32, #tpu.memory_space<hbm>>
    tpu.wait_indirect_dma semaphore(%arg13 : memref<!tpu.dma_semaphore, #tpu.memory_space<semaphore_mem>>) src(%dma_wait3A_96 : memref<100000x128xf32, #tpu.memory_space<hbm>>) dst(%dma_wait3A_92 : memref<32x128xf32, #tpu.memory_space<vmem>>)
    %parallel_loop3A_97 = arith.constant 6 : i32
    %parallel_loop3A_98 = arith.constant 8 : i32
    %parallel_loop3A_99 = arith.constant 1 : i32
    %parallel_loop3A_100 = scf.for %parallel_loop3A_106 = %parallel_loop3A_97 to %parallel_loop3A_98 step %parallel_loop3A_99 iter_args(%parallel_loop3A_107 = %parallel_loop3A_89) -> (vector<16xf32>)  : i32 {
      %parallel_loop3A_108 = arith.constant 16 : i32
      %parallel_loop3A_109 = arith.muli %parallel_loop3A_106, %parallel_loop3A_108 : i32
      %parallel_loop3A_110 = arith.index_cast %parallel_loop3A_109 : i32 to index
      %parallel_loop3A_111 = tpu.vector_load %arg5[%parallel_loop3A_110] {strides = array<i32>} : memref<128xi32, #tpu.memory_space<vmem>>, vector<16xi32>,
      %parallel_loop3A_112 = vector.shape_cast %parallel_loop3A_111 : vector<16xi32> to vector<16xi32>
      %parallel_loop3A_113 = arith.constant 0.000000e+00 : f32
      %parallel_loop3A_114 = vector.broadcast %parallel_loop3A_113 : f32 to vector<16xf32>
      %parallel_loop3A_115 = arith.constant 16 : i32
      %parallel_loop3A_116 = arith.muli %parallel_loop3A_106, %parallel_loop3A_115 : i32
      %parallel_loop3A_117 = arith.constant 0 : i32
      %parallel_loop3A_118 = arith.addi %parallel_loop3A_116, %parallel_loop3A_117 : i32
      %parallel_loop3A_119 = arith.constant 16 : i32
      %parallel_loop3A_120 = arith.muli %parallel_loop3A_106, %parallel_loop3A_119 : i32
      %parallel_loop3A_121 = arith.index_cast %parallel_loop3A_118 : i32 to index
      %parallel_loop3A_122 = arith.index_cast %parallel_loop3A_120 : i32 to index
      %parallel_loop3A_123 = tpu.vector_load %arg6[%parallel_loop3A_121, %parallel_loop3A_122] {strides = array<i32>} : memref<128x128xf32, #tpu.memory_space<vmem>>, vector<1x16xf32>,
      %parallel_loop3A_124 = vector.shape_cast %parallel_loop3A_123 : vector<1x16xf32> to vector<16xf32>
      %parallel_loop3A_125 = arith.constant 0 : i32
      %parallel_loop3A_126 = vector.broadcast %parallel_loop3A_125 : i32 to vector<16xi32>
      %parallel_loop3A_127 = arith.cmpi eq, %iota3A, %parallel_loop3A_126 : vector<16xi32>
      %parallel_loop3A_128 = arith.constant 0.000000e+00 : f32
      %parallel_loop3A_129 = vector.broadcast %parallel_loop3A_128 : f32 to vector<16xf32>
      %parallel_loop3A_130 = arith.select %parallel_loop3A_127, %parallel_loop3A_124, %parallel_loop3A_129 : vector<16xi1>, vector<16xf32>
      %parallel_loop3A_131 = arith.addf %parallel_loop3A_114, %parallel_loop3A_130 : vector<16xf32>
      %parallel_loop3A_132 = arith.constant 16 : i32
      %parallel_loop3A_133 = arith.muli %parallel_loop3A_106, %parallel_loop3A_132 : i32
      %parallel_loop3A_134 = arith.constant 1 : i32
      %parallel_loop3A_135 = arith.addi %parallel_loop3A_133, %parallel_loop3A_134 : i32
      %parallel_loop3A_136 = arith.constant 16 : i32
      %parallel_loop3A_137 = arith.muli %parallel_loop3A_106, %parallel_loop3A_136 : i32
      %parallel_loop3A_138 = arith.index_cast %parallel_loop3A_135 : i32 to index
      %parallel_loop3A_139 = arith.index_cast %parallel_loop3A_137 : i32 to index
      %parallel_loop3A_140 = tpu.vector_load %arg6[%parallel_loop3A_138, %parallel_loop3A_139] {strides = array<i32>} : memref<128x128xf32, #tpu.memory_space<vmem>>, vector<1x16xf32>,
      %parallel_loop3A_141 = vector.shape_cast %parallel_loop3A_140 : vector<1x16xf32> to vector<16xf32>
      %parallel_loop3A_142 = arith.constant 1 : i32
      %parallel_loop3A_143 = vector.broadcast %parallel_loop3A_142 : i32 to vector<16xi32>
      %parallel_loop3A_144 = arith.cmpi eq, %iota3A, %parallel_loop3A_143 : vector<16xi32>
      %parallel_loop3A_145 = arith.constant 0.000000e+00 : f32
      %parallel_loop3A_146 = vector.broadcast %parallel_loop3A_145 : f32 to vector<16xf32>
      %parallel_loop3A_147 = arith.select %parallel_loop3A_144, %parallel_loop3A_141, %parallel_loop3A_146 : vector<16xi1>, vector<16xf32>
      %parallel_loop3A_148 = arith.addf %parallel_loop3A_131, %parallel_loop3A_147 : vector<16xf32>
      %parallel_loop3A_149 = arith.constant 16 : i32
      %parallel_loop3A_150 = arith.muli %parallel_loop3A_106, %parallel_loop3A_149 : i32
      %parallel_loop3A_151 = arith.constant 2 : i32
      %parallel_loop3A_152 = arith.addi %parallel_loop3A_150, %parallel_loop3A_151 : i32
      %parallel_loop3A_153 = arith.constant 16 : i32
      %parallel_loop3A_154 = arith.muli %parallel_loop3A_106, %parallel_loop3A_153 : i32
      %parallel_loop3A_155 = arith.index_cast %parallel_loop3A_152 : i32 to index
      %parallel_loop3A_156 = arith.index_cast %parallel_loop3A_154 : i32 to index
      %parallel_loop3A_157 = tpu.vector_load %arg6[%parallel_loop3A_155, %parallel_loop3A_156] {strides = array<i32>} : memref<128x128xf32, #tpu.memory_space<vmem>>, vector<1x16xf32>,
      %parallel_loop3A_158 = vector.shape_cast %parallel_loop3A_157 : vector<1x16xf32> to vector<16xf32>
      %parallel_loop3A_159 = arith.constant 2 : i32
      %parallel_loop3A_160 = vector.broadcast %parallel_loop3A_159 : i32 to vector<16xi32>
      %parallel_loop3A_161 = arith.cmpi eq, %iota3A, %parallel_loop3A_160 : vector<16xi32>
      %parallel_loop3A_162 = arith.constant 0.000000e+00 : f32
      %parallel_loop3A_163 = vector.broadcast %parallel_loop3A_162 : f32 to vector<16xf32>
      %parallel_loop3A_164 = arith.select %parallel_loop3A_161, %parallel_loop3A_158, %parallel_loop3A_163 : vector<16xi1>, vector<16xf32>
      %parallel_loop3A_165 = arith.addf %parallel_loop3A_148, %parallel_loop3A_164 : vector<16xf32>
      %parallel_loop3A_166 = arith.constant 16 : i32
      %parallel_loop3A_167 = arith.muli %parallel_loop3A_106, %parallel_loop3A_166 : i32
      %parallel_loop3A_168 = arith.constant 3 : i32
      %parallel_loop3A_169 = arith.addi %parallel_loop3A_167, %parallel_loop3A_168 : i32
      %parallel_loop3A_170 = arith.constant 16 : i32
      %parallel_loop3A_171 = arith.muli %parallel_loop3A_106, %parallel_loop3A_170 : i32
      %parallel_loop3A_172 = arith.index_cast %parallel_loop3A_169 : i32 to index
      %parallel_loop3A_173 = arith.index_cast %parallel_loop3A_171 : i32 to index
      %parallel_loop3A_174 = tpu.vector_load %arg6[%parallel_loop3A_172, %parallel_loop3A_173] {strides = array<i32>} : memref<128x128xf32, #tpu.memory_space<vmem>>, vector<1x16xf32>,
      %parallel_loop3A_175 = vector.shape_cast %parallel_loop3A_174 : vector<1x16xf32> to vector<16xf32>
      %parallel_loop3A_176 = arith.constant 3 : i32
      %parallel_loop3A_177 = vector.broadcast %parallel_loop3A_176 : i32 to vector<16xi32>
      %parallel_loop3A_178 = arith.cmpi eq, %iota3A, %parallel_loop3A_177 : vector<16xi32>
      %parallel_loop3A_179 = arith.constant 0.000000e+00 : f32
      %parallel_loop3A_180 = vector.broadcast %parallel_loop3A_179 : f32 to vector<16xf32>
      %parallel_loop3A_181 = arith.select %parallel_loop3A_178, %parallel_loop3A_175, %parallel_loop3A_180 : vector<16xi1>, vector<16xf32>
      %parallel_loop3A_182 = arith.addf %parallel_loop3A_165, %parallel_loop3A_181 : vector<16xf32>
      %parallel_loop3A_183 = arith.constant 16 : i32
      %parallel_loop3A_184 = arith.muli %parallel_loop3A_106, %parallel_loop3A_183 : i32
      %parallel_loop3A_185 = arith.constant 4 : i32
      %parallel_loop3A_186 = arith.addi %parallel_loop3A_184, %parallel_loop3A_185 : i32
      %parallel_loop3A_187 = arith.constant 16 : i32
      %parallel_loop3A_188 = arith.muli %parallel_loop3A_106, %parallel_loop3A_187 : i32
      %parallel_loop3A_189 = arith.index_cast %parallel_loop3A_186 : i32 to index
      %parallel_loop3A_190 = arith.index_cast %parallel_loop3A_188 : i32 to index
      %parallel_loop3A_191 = tpu.vector_load %arg6[%parallel_loop3A_189, %parallel_loop3A_190] {strides = array<i32>} : memref<128x128xf32, #tpu.memory_space<vmem>>, vector<1x16xf32>,
      %parallel_loop3A_192 = vector.shape_cast %parallel_loop3A_191 : vector<1x16xf32> to vector<16xf32>
      %parallel_loop3A_193 = arith.constant 4 : i32
      %parallel_loop3A_194 = vector.broadcast %parallel_loop3A_193 : i32 to vector<16xi32>
      %parallel_loop3A_195 = arith.cmpi eq, %iota3A, %parallel_loop3A_194 : vector<16xi32>
      %parallel_loop3A_196 = arith.constant 0.000000e+00 : f32
      %parallel_loop3A_197 = vector.broadcast %parallel_loop3A_196 : f32 to vector<16xf32>
      %parallel_loop3A_198 = arith.select %parallel_loop3A_195, %parallel_loop3A_192, %parallel_loop3A_197 : vector<16xi1>, vector<16xf32>
      %parallel_loop3A_199 = arith.addf %parallel_loop3A_182, %parallel_loop3A_198 : vector<16xf32>
      %parallel_loop3A_200 = arith.constant 16 : i32
      %parallel_loop3A_201 = arith.muli %parallel_loop3A_106, %parallel_loop3A_200 : i32
      %parallel_loop3A_202 = arith.constant 5 : i32
      %parallel_loop3A_203 = arith.addi %parallel_loop3A_201, %parallel_loop3A_202 : i32
      %parallel_loop3A_204 = arith.constant 16 : i32
      %parallel_loop3A_205 = arith.muli %parallel_loop3A_106, %parallel_loop3A_204 : i32
      %parallel_loop3A_206 = arith.index_cast %parallel_loop3A_203 : i32 to index
      %parallel_loop3A_207 = arith.index_cast %parallel_loop3A_205 : i32 to index
      %parallel_loop3A_208 = tpu.vector_load %arg6[%parallel_loop3A_206, %parallel_loop3A_207] {strides = array<i32>} : memref<128x128xf32, #tpu.memory_space<vmem>>, vector<1x16xf32>,
      %parallel_loop3A_209 = vector.shape_cast %parallel_loop3A_208 : vector<1x16xf32> to vector<16xf32>
      %parallel_loop3A_210 = arith.constant 5 : i32
      %parallel_loop3A_211 = vector.broadcast %parallel_loop3A_210 : i32 to vector<16xi32>
      %parallel_loop3A_212 = arith.cmpi eq, %iota3A, %parallel_loop3A_211 : vector<16xi32>
      %parallel_loop3A_213 = arith.constant 0.000000e+00 : f32
      %parallel_loop3A_214 = vector.broadcast %parallel_loop3A_213 : f32 to vector<16xf32>
      %parallel_loop3A_215 = arith.select %parallel_loop3A_212, %parallel_loop3A_209, %parallel_loop3A_214 : vector<16xi1>, vector<16xf32>
      %parallel_loop3A_216 = arith.addf %parallel_loop3A_199, %parallel_loop3A_215 : vector<16xf32>
      %parallel_loop3A_217 = arith.constant 16 : i32
      %parallel_loop3A_218 = arith.muli %parallel_loop3A_106, %parallel_loop3A_217 : i32
      %parallel_loop3A_219 = arith.constant 6 : i32
      %parallel_loop3A_220 = arith.addi %parallel_loop3A_218, %parallel_loop3A_219 : i32
      %parallel_loop3A_221 = arith.constant 16 : i32
      %parallel_loop3A_222 = arith.muli %parallel_loop3A_106, %parallel_loop3A_221 : i32
      %parallel_loop3A_223 = arith.index_cast %parallel_loop3A_220 : i32 to index
      %parallel_loop3A_224 = arith.index_cast %parallel_loop3A_222 : i32 to index
      %parallel_loop3A_225 = tpu.vector_load %arg6[%parallel_loop3A_223, %parallel_loop3A_224] {strides = array<i32>} : memref<128x128xf32, #tpu.memory_space<vmem>>, vector<1x16xf32>,
      %parallel_loop3A_226 = vector.shape_cast %parallel_loop3A_225 : vector<1x16xf32> to vector<16xf32>
      %parallel_loop3A_227 = arith.constant 6 : i32
      %parallel_loop3A_228 = vector.broadcast %parallel_loop3A_227 : i32 to vector<16xi32>
      %parallel_loop3A_229 = arith.cmpi eq, %iota3A, %parallel_loop3A_228 : vector<16xi32>
      %parallel_loop3A_230 = arith.constant 0.000000e+00 : f32
      %parallel_loop3A_231 = vector.broadcast %parallel_loop3A_230 : f32 to vector<16xf32>
      %parallel_loop3A_232 = arith.select %parallel_loop3A_229, %parallel_loop3A_226, %parallel_loop3A_231 : vector<16xi1>, vector<16xf32>
      %parallel_loop3A_233 = arith.addf %parallel_loop3A_216, %parallel_loop3A_232 : vector<16xf32>
      %parallel_loop3A_234 = arith.constant 16 : i32
      %parallel_loop3A_235 = arith.muli %parallel_loop3A_106, %parallel_loop3A_234 : i32
      %parallel_loop3A_236 = arith.constant 7 : i32
      %parallel_loop3A_237 = arith.addi %parallel_loop3A_235, %parallel_loop3A_236 : i32
      %parallel_loop3A_238 = arith.constant 16 : i32
      %parallel_loop3A_239 = arith.muli %parallel_loop3A_106, %parallel_loop3A_238 : i32
      %parallel_loop3A_240 = arith.index_cast %parallel_loop3A_237 : i32 to index
      %parallel_loop3A_241 = arith.index_cast %parallel_loop3A_239 : i32 to index
      %parallel_loop3A_242 = tpu.vector_load %arg6[%parallel_loop3A_240, %parallel_loop3A_241] {strides = array<i32>} : memref<128x128xf32, #tpu.memory_space<vmem>>, vector<1x16xf32>,
      %parallel_loop3A_243 = vector.shape_cast %parallel_loop3A_242 : vector<1x16xf32> to vector<16xf32>
      %parallel_loop3A_244 = arith.constant 7 : i32
      %parallel_loop3A_245 = vector.broadcast %parallel_loop3A_244 : i32 to vector<16xi32>
      %parallel_loop3A_246 = arith.cmpi eq, %iota3A, %parallel_loop3A_245 : vector<16xi32>
      %parallel_loop3A_247 = arith.constant 0.000000e+00 : f32
      %parallel_loop3A_248 = vector.broadcast %parallel_loop3A_247 : f32 to vector<16xf32>
      %parallel_loop3A_249 = arith.select %parallel_loop3A_246, %parallel_loop3A_243, %parallel_loop3A_248 : vector<16xi1>, vector<16xf32>
      %parallel_loop3A_250 = arith.addf %parallel_loop3A_233, %parallel_loop3A_249 : vector<16xf32>
      %parallel_loop3A_251 = arith.constant 16 : i32
      %parallel_loop3A_252 = arith.muli %parallel_loop3A_106, %parallel_loop3A_251 : i32
      %parallel_loop3A_253 = arith.constant 8 : i32
      %parallel_loop3A_254 = arith.addi %parallel_loop3A_252, %parallel_loop3A_253 : i32
      %parallel_loop3A_255 = arith.constant 16 : i32
      %parallel_loop3A_256 = arith.muli %parallel_loop3A_106, %parallel_loop3A_255 : i32
      %parallel_loop3A_257 = arith.index_cast %parallel_loop3A_254 : i32 to index
      %parallel_loop3A_258 = arith.index_cast %parallel_loop3A_256 : i32 to index
      %parallel_loop3A_259 = tpu.vector_load %arg6[%parallel_loop3A_257, %parallel_loop3A_258] {strides = array<i32>} : memref<128x128xf32, #tpu.memory_space<vmem>>, vector<1x16xf32>,
      %parallel_loop3A_260 = vector.shape_cast %parallel_loop3A_259 : vector<1x16xf32> to vector<16xf32>
      %parallel_loop3A_261 = arith.constant 8 : i32
      %parallel_loop3A_262 = vector.broadcast %parallel_loop3A_261 : i32 to vector<16xi32>
      %parallel_loop3A_263 = arith.cmpi eq, %iota3A, %parallel_loop3A_262 : vector<16xi32>
      %parallel_loop3A_264 = arith.constant 0.000000e+00 : f32
      %parallel_loop3A_265 = vector.broadcast %parallel_loop3A_264 : f32 to vector<16xf32>
      %parallel_loop3A_266 = arith.select %parallel_loop3A_263, %parallel_loop3A_260, %parallel_loop3A_265 : vector<16xi1>, vector<16xf32>
      %parallel_loop3A_267 = arith.addf %parallel_loop3A_250, %parallel_loop3A_266 : vector<16xf32>
      %parallel_loop3A_268 = arith.constant 16 : i32
      %parallel_loop3A_269 = arith.muli %parallel_loop3A_106, %parallel_loop3A_268 : i32
      %parallel_loop3A_270 = arith.constant 9 : i32
      %parallel_loop3A_271 = arith.addi %parallel_loop3A_269, %parallel_loop3A_270 : i32
      %parallel_loop3A_272 = arith.constant 16 : i32
      %parallel_loop3A_273 = arith.muli %parallel_loop3A_106, %parallel_loop3A_272 : i32
      %parallel_loop3A_274 = arith.index_cast %parallel_loop3A_271 : i32 to index
      %parallel_loop3A_275 = arith.index_cast %parallel_loop3A_273 : i32 to index
      %parallel_loop3A_276 = tpu.vector_load %arg6[%parallel_loop3A_274, %parallel_loop3A_275] {strides = array<i32>} : memref<128x128xf32, #tpu.memory_space<vmem>>, vector<1x16xf32>,
      %parallel_loop3A_277 = vector.shape_cast %parallel_loop3A_276 : vector<1x16xf32> to vector<16xf32>
      %parallel_loop3A_278 = arith.constant 9 : i32
      %parallel_loop3A_279 = vector.broadcast %parallel_loop3A_278 : i32 to vector<16xi32>
      %parallel_loop3A_280 = arith.cmpi eq, %iota3A, %parallel_loop3A_279 : vector<16xi32>
      %parallel_loop3A_281 = arith.constant 0.000000e+00 : f32
      %parallel_loop3A_282 = vector.broadcast %parallel_loop3A_281 : f32 to vector<16xf32>
      %parallel_loop3A_283 = arith.select %parallel_loop3A_280, %parallel_loop3A_277, %parallel_loop3A_282 : vector<16xi1>, vector<16xf32>
      %parallel_loop3A_284 = arith.addf %parallel_loop3A_267, %parallel_loop3A_283 : vector<16xf32>
      %parallel_loop3A_285 = arith.constant 16 : i32
      %parallel_loop3A_286 = arith.muli %parallel_loop3A_106, %parallel_loop3A_285 : i32
      %parallel_loop3A_287 = arith.constant 10 : i32
      %parallel_loop3A_288 = arith.addi %parallel_loop3A_286, %parallel_loop3A_287 : i32
      %parallel_loop3A_289 = arith.constant 16 : i32
      %parallel_loop3A_290 = arith.muli %parallel_loop3A_106, %parallel_loop3A_289 : i32
      %parallel_loop3A_291 = arith.index_cast %parallel_loop3A_288 : i32 to index
      %parallel_loop3A_292 = arith.index_cast %parallel_loop3A_290 : i32 to index
      %parallel_loop3A_293 = tpu.vector_load %arg6[%parallel_loop3A_291, %parallel_loop3A_292] {strides = array<i32>} : memref<128x128xf32, #tpu.memory_space<vmem>>, vector<1x16xf32>,
      %parallel_loop3A_294 = vector.shape_cast %parallel_loop3A_293 : vector<1x16xf32> to vector<16xf32>
      %parallel_loop3A_295 = arith.constant 10 : i32
      %parallel_loop3A_296 = vector.broadcast %parallel_loop3A_295 : i32 to vector<16xi32>
      %parallel_loop3A_297 = arith.cmpi eq, %iota3A, %parallel_loop3A_296 : vector<16xi32>
      %parallel_loop3A_298 = arith.constant 0.000000e+00 : f32
      %parallel_loop3A_299 = vector.broadcast %parallel_loop3A_298 : f32 to vector<16xf32>
      %parallel_loop3A_300 = arith.select %parallel_loop3A_297, %parallel_loop3A_294, %parallel_loop3A_299 : vector<16xi1>, vector<16xf32>
      %parallel_loop3A_301 = arith.addf %parallel_loop3A_284, %parallel_loop3A_300 : vector<16xf32>
      %parallel_loop3A_302 = arith.constant 16 : i32
      %parallel_loop3A_303 = arith.muli %parallel_loop3A_106, %parallel_loop3A_302 : i32
      %parallel_loop3A_304 = arith.constant 11 : i32
      %parallel_loop3A_305 = arith.addi %parallel_loop3A_303, %parallel_loop3A_304 : i32
      %parallel_loop3A_306 = arith.constant 16 : i32
      %parallel_loop3A_307 = arith.muli %parallel_loop3A_106, %parallel_loop3A_306 : i32
      %parallel_loop3A_308 = arith.index_cast %parallel_loop3A_305 : i32 to index
      %parallel_loop3A_309 = arith.index_cast %parallel_loop3A_307 : i32 to index
      %parallel_loop3A_310 = tpu.vector_load %arg6[%parallel_loop3A_308, %parallel_loop3A_309] {strides = array<i32>} : memref<128x128xf32, #tpu.memory_space<vmem>>, vector<1x16xf32>,
      %parallel_loop3A_311 = vector.shape_cast %parallel_loop3A_310 : vector<1x16xf32> to vector<16xf32>
      %parallel_loop3A_312 = arith.constant 11 : i32
      %parallel_loop3A_313 = vector.broadcast %parallel_loop3A_312 : i32 to vector<16xi32>
      %parallel_loop3A_314 = arith.cmpi eq, %iota3A, %parallel_loop3A_313 : vector<16xi32>
      %parallel_loop3A_315 = arith.constant 0.000000e+00 : f32
      %parallel_loop3A_316 = vector.broadcast %parallel_loop3A_315 : f32 to vector<16xf32>
      %parallel_loop3A_317 = arith.select %parallel_loop3A_314, %parallel_loop3A_311, %parallel_loop3A_316 : vector<16xi1>, vector<16xf32>
      %parallel_loop3A_318 = arith.addf %parallel_loop3A_301, %parallel_loop3A_317 : vector<16xf32>
      %parallel_loop3A_319 = arith.constant 16 : i32
      %parallel_loop3A_320 = arith.muli %parallel_loop3A_106, %parallel_loop3A_319 : i32
      %parallel_loop3A_321 = arith.constant 12 : i32
      %parallel_loop3A_322 = arith.addi %parallel_loop3A_320, %parallel_loop3A_321 : i32
      %parallel_loop3A_323 = arith.constant 16 : i32
      %parallel_loop3A_324 = arith.muli %parallel_loop3A_106, %parallel_loop3A_323 : i32
      %parallel_loop3A_325 = arith.index_cast %parallel_loop3A_322 : i32 to index
      %parallel_loop3A_326 = arith.index_cast %parallel_loop3A_324 : i32 to index
      %parallel_loop3A_327 = tpu.vector_load %arg6[%parallel_loop3A_325, %parallel_loop3A_326] {strides = array<i32>} : memref<128x128xf32, #tpu.memory_space<vmem>>, vector<1x16xf32>,
      %parallel_loop3A_328 = vector.shape_cast %parallel_loop3A_327 : vector<1x16xf32> to vector<16xf32>
      %parallel_loop3A_329 = arith.constant 12 : i32
      %parallel_loop3A_330 = vector.broadcast %parallel_loop3A_329 : i32 to vector<16xi32>
      %parallel_loop3A_331 = arith.cmpi eq, %iota3A, %parallel_loop3A_330 : vector<16xi32>
      %parallel_loop3A_332 = arith.constant 0.000000e+00 : f32
      %parallel_loop3A_333 = vector.broadcast %parallel_loop3A_332 : f32 to vector<16xf32>
      %parallel_loop3A_334 = arith.select %parallel_loop3A_331, %parallel_loop3A_328, %parallel_loop3A_333 : vector<16xi1>, vector<16xf32>
      %parallel_loop3A_335 = arith.addf %parallel_loop3A_318, %parallel_loop3A_334 : vector<16xf32>
      %parallel_loop3A_336 = arith.constant 16 : i32
      %parallel_loop3A_337 = arith.muli %parallel_loop3A_106, %parallel_loop3A_336 : i32
      %parallel_loop3A_338 = arith.constant 13 : i32
      %parallel_loop3A_339 = arith.addi %parallel_loop3A_337, %parallel_loop3A_338 : i32
      %parallel_loop3A_340 = arith.constant 16 : i32
      %parallel_loop3A_341 = arith.muli %parallel_loop3A_106, %parallel_loop3A_340 : i32
      %parallel_loop3A_342 = arith.index_cast %parallel_loop3A_339 : i32 to index
      %parallel_loop3A_343 = arith.index_cast %parallel_loop3A_341 : i32 to index
      %parallel_loop3A_344 = tpu.vector_load %arg6[%parallel_loop3A_342, %parallel_loop3A_343] {strides = array<i32>} : memref<128x128xf32, #tpu.memory_space<vmem>>, vector<1x16xf32>,
      %parallel_loop3A_345 = vector.shape_cast %parallel_loop3A_344 : vector<1x16xf32> to vector<16xf32>
      %parallel_loop3A_346 = arith.constant 13 : i32
      %parallel_loop3A_347 = vector.broadcast %parallel_loop3A_346 : i32 to vector<16xi32>
      %parallel_loop3A_348 = arith.cmpi eq, %iota3A, %parallel_loop3A_347 : vector<16xi32>
      %parallel_loop3A_349 = arith.constant 0.000000e+00 : f32
      %parallel_loop3A_350 = vector.broadcast %parallel_loop3A_349 : f32 to vector<16xf32>
      %parallel_loop3A_351 = arith.select %parallel_loop3A_348, %parallel_loop3A_345, %parallel_loop3A_350 : vector<16xi1>, vector<16xf32>
      %parallel_loop3A_352 = arith.addf %parallel_loop3A_335, %parallel_loop3A_351 : vector<16xf32>
      %parallel_loop3A_353 = arith.constant 16 : i32
      %parallel_loop3A_354 = arith.muli %parallel_loop3A_106, %parallel_loop3A_353 : i32
      %parallel_loop3A_355 = arith.constant 14 : i32
      %parallel_loop3A_356 = arith.addi %parallel_loop3A_354, %parallel_loop3A_355 : i32
      %parallel_loop3A_357 = arith.constant 16 : i32
      %parallel_loop3A_358 = arith.muli %parallel_loop3A_106, %parallel_loop3A_357 : i32
      %parallel_loop3A_359 = arith.index_cast %parallel_loop3A_356 : i32 to index
      %parallel_loop3A_360 = arith.index_cast %parallel_loop3A_358 : i32 to index
      %parallel_loop3A_361 = tpu.vector_load %arg6[%parallel_loop3A_359, %parallel_loop3A_360] {strides = array<i32>} : memref<128x128xf32, #tpu.memory_space<vmem>>, vector<1x16xf32>,
      %parallel_loop3A_362 = vector.shape_cast %parallel_loop3A_361 : vector<1x16xf32> to vector<16xf32>
      %parallel_loop3A_363 = arith.constant 14 : i32
      %parallel_loop3A_364 = vector.broadcast %parallel_loop3A_363 : i32 to vector<16xi32>
      %parallel_loop3A_365 = arith.cmpi eq, %iota3A, %parallel_loop3A_364 : vector<16xi32>
      %parallel_loop3A_366 = arith.constant 0.000000e+00 : f32
      %parallel_loop3A_367 = vector.broadcast %parallel_loop3A_366 : f32 to vector<16xf32>
      %parallel_loop3A_368 = arith.select %parallel_loop3A_365, %parallel_loop3A_362, %parallel_loop3A_367 : vector<16xi1>, vector<16xf32>
      %parallel_loop3A_369 = arith.addf %parallel_loop3A_352, %parallel_loop3A_368 : vector<16xf32>
      %parallel_loop3A_370 = arith.constant 16 : i32
      %parallel_loop3A_371 = arith.muli %parallel_loop3A_106, %parallel_loop3A_370 : i32
      %parallel_loop3A_372 = arith.constant 15 : i32
      %parallel_loop3A_373 = arith.addi %parallel_loop3A_371, %parallel_loop3A_372 : i32
      %parallel_loop3A_374 = arith.constant 16 : i32
      %parallel_loop3A_375 = arith.muli %parallel_loop3A_106, %parallel_loop3A_374 : i32
      %parallel_loop3A_376 = arith.index_cast %parallel_loop3A_373 : i32 to index
      %parallel_loop3A_377 = arith.index_cast %parallel_loop3A_375 : i32 to index
      %parallel_loop3A_378 = tpu.vector_load %arg6[%parallel_loop3A_376, %parallel_loop3A_377] {strides = array<i32>} : memref<128x128xf32, #tpu.memory_space<vmem>>, vector<1x16xf32>,
      %parallel_loop3A_379 = vector.shape_cast %parallel_loop3A_378 : vector<1x16xf32> to vector<16xf32>
      %parallel_loop3A_380 = arith.constant 15 : i32
      %parallel_loop3A_381 = vector.broadcast %parallel_loop3A_380 : i32 to vector<16xi32>
      %parallel_loop3A_382 = arith.cmpi eq, %iota3A, %parallel_loop3A_381 : vector<16xi32>
      %parallel_loop3A_383 = arith.constant 0.000000e+00 : f32
      %parallel_loop3A_384 = vector.broadcast %parallel_loop3A_383 : f32 to vector<16xf32>
      %parallel_loop3A_385 = arith.select %parallel_loop3A_382, %parallel_loop3A_379, %parallel_loop3A_384 : vector<16xi1>, vector<16xf32>
      %parallel_loop3A_386 = arith.addf %parallel_loop3A_369, %parallel_loop3A_385 : vector<16xf32>
      %parallel_loop3A_387 = arith.constant 0 : i32
      %parallel_loop3A_388 = vector.broadcast %parallel_loop3A_387 : i32 to vector<16xi32>
      %parallel_loop3A_389 = arith.cmpi sgt, %parallel_loop3A_112, %parallel_loop3A_388 : vector<16xi32>
      %parallel_loop3A_390 = arith.constant 0.000000e+00 : f32
      %parallel_loop3A_391 = vector.broadcast %parallel_loop3A_390 : f32 to vector<16xf32>
      %parallel_loop3A_392 = arith.select %parallel_loop3A_389, %parallel_loop3A_386, %parallel_loop3A_391 : vector<16xi1>, vector<16xf32>
      %parallel_loop3A_393 = arith.addf %parallel_loop3A_107, %parallel_loop3A_392 : vector<16xf32>
      scf.yield %parallel_loop3A_393 : vector<16xf32>
    } {sc.loop_unroll_factor = 1 : i64, sc.parallel_access}
    %swap3A = arith.constant 0 : index
    %swap3A_101 = tpu.vector_load %arg7[%swap3A] {strides = array<i32>} : memref<16xf32, #tpu.memory_space<vmem>>, vector<16xf32>,
    %swap3A_102 = vector.shape_cast %swap3A_101 : vector<16xf32> to vector<16xf32>
    %swap3A_103 = vector.shape_cast %parallel_loop3A_100 : vector<16xf32> to vector<16xf32>
    tpu.vector_store %arg7[%swap3A], %swap3A_103 {strides = array<i32>} : memref<16xf32, #tpu.memory_space<vmem>>, vector<16xf32>,
    %mul3A_104 = arith.constant 16 : i32
    %mul3A_105 = arith.muli %add3A, %mul3A_104 : i32
    "tpu.region"() ({
      %run_scoped3A = tpu.sem_alloc : memref<!tpu.dma_semaphore, #tpu.memory_space<semaphore_mem>>
      %dma_start3A_106 = tpu.memref_slice %arg4[%mul3A_105] : memref<512xf32, #tpu.memory_space<hbm>> -> memref<16xf32, #tpu.memory_space<hbm>>
      %dma_start3A_107 = tpu.memref_slice %arg4[%mul3A_105] : memref<512xf32, #tpu.memory_space<hbm>> -> memref<16xf32, #tpu.memory_space<hbm>>
      tpu.enqueue_dma source(%arg7 : memref<16xf32, #tpu.memory_space<vmem>>) target(%dma_start3A_107 : memref<16xf32, #tpu.memory_space<hbm>>) target_semaphore(%run_scoped3A : memref<!tpu.dma_semaphore, #tpu.memory_space<semaphore_mem>>)
      %dma_wait3A_108 = tpu.memref_slice %arg4[%mul3A_105] : memref<512xf32, #tpu.memory_space<hbm>> -> memref<16xf32, #tpu.memory_space<hbm>>
      %dma_wait3A_109 = tpu.memref_slice %arg4[%mul3A_105] : memref<512xf32, #tpu.memory_space<hbm>> -> memref<16xf32, #tpu.memory_space<hbm>>
      tpu.wait_dma2 semaphore(%run_scoped3A : memref<!tpu.dma_semaphore, #tpu.memory_space<semaphore_mem>>) src(%arg7 : memref<16xf32, #tpu.memory_space<vmem>>) dst(%dma_wait3A_109 : memref<16xf32, #tpu.memory_space<hbm>>)
      tpu.yield
    }) : () -> ()
    return
  }
}

module attributes {stable_mosaic.version = 14 : i64} {
  func.func @_reduce_body(%arg0: memref<4x128xf32, #tpu.memory_space<any>>, %arg1: memref<1x1xf32, #tpu.memory_space<vmem>>, %arg2: memref<4x128xf32, #tpu.memory_space<vmem>>, %arg3: memref<!tpu.dma_semaphore, #tpu.memory_space<semaphore_mem>>) attributes {dimension_semantics = [], scalar_prefetch = 0 : i64, scratch_operands = 2 : i64, tpu.core_type = #tpu.core_type<tc>} {
    tpu.enqueue_dma source(%arg0 : memref<4x128xf32, #tpu.memory_space<any>>) target(%arg2 : memref<4x128xf32, #tpu.memory_space<vmem>>) target_semaphore(%arg3 : memref<!tpu.dma_semaphore, #tpu.memory_space<semaphore_mem>>)
    tpu.wait_dma2 semaphore(%arg3 : memref<!tpu.dma_semaphore, #tpu.memory_space<semaphore_mem>>) src(%arg0 : memref<4x128xf32, #tpu.memory_space<any>>) dst(%arg2 : memref<4x128xf32, #tpu.memory_space<vmem>>)
    %get3A = arith.constant 0 : index
    %get3A_0 = arith.constant 0 : index
    %get3A_1 = vector.load %arg2[%get3A, %get3A_0] : memref<4x128xf32, #tpu.memory_space<vmem>>, vector<4x128xf32>
    %reduce_sum3A = vector.shape_cast %get3A_1 : vector<4x128xf32> to vector<1x4x128xf32>
    %reduce_sum3A_2 = arith.constant dense<0.000000e+00> : vector<1xf32>
    %reduce_sum3A_3 = vector.multi_reduction <add>, %reduce_sum3A, %reduce_sum3A_2 [1, 2] : vector<1x4x128xf32> to vector<1xf32>
    %reduce_sum3A_4 = vector.shape_cast %reduce_sum3A_3 : vector<1xf32> to vector<1x1x1xf32>
    %reduce_sum3A_5 = vector.extract %reduce_sum3A_4[0, 0, 0] : f32 from vector<1x1x1xf32>
    %reshape3A = vector.broadcast %reduce_sum3A_5 : f32 to vector<1x1xf32>
    %neg3A = arith.constant 0.000000e+00 : f32
    %neg3A_6 = vector.broadcast %neg3A : f32 to vector<1x1xf32>
    %neg3A_7 = arith.subf %neg3A_6, %reshape3A : vector<1x1xf32>
    %swap3A = arith.constant 0 : index
    %swap3A_8 = arith.constant 0 : index
    %swap3A_9 = vector.load %arg1[%swap3A, %swap3A_8] : memref<1x1xf32, #tpu.memory_space<vmem>>, vector<1x1xf32>
    tpu.vector_store %arg1[%swap3A, %swap3A_8], %neg3A_7 {strides = array<i32>} : memref<1x1xf32, #tpu.memory_space<vmem>>, vector<1x1xf32>,
    return
  }
}

</mosaic_0001>

<sc_bundles>
// kernel: kernel.4.cloned.1.call-start
scs
__scs_entry_jumppad:
0x0: {  	(pc) =	sbr.rel $0x88, $3  }
0x1: {  	(tag) =	ssettag $0x0;
	lr =	simm.s32 $0x1  }
0x2: {  	[smem:$0x3F9F] =	sst lr;
	_ =	strace $0xD0000000  }
0x3: {  	_ = 	snop  }
0x4: {  	_ = 	snop  }
0x5: {  	_ = 	snop  }
0x6: {  	_ = 	snop  }
0x7: {  	_ = 	snop  }
__scs_overlays_trampoline_lowered:
0x8: {  	[smem:$0x3FAE] =	sst s0  }
0x9: {  	[smem:$0x3FAF] =	sst s1  }
0xa: {  	[smem:$0x3FB0] =	sst s2  }
0xb: {  	[smem:$0x3FB1] =	sst s3  }
0xc: {  	[smem:$0x3FB2] =	sst s4  }
0xd: {  	[smem:$0x3FB3] =	sst s5  }
0xe: {  	[smem:$0x3FB4] =	sst s6  }
0xf: {  	[smem:$0x3FB5] =	sst s7  }
0x10: {  	[smem:$0x3FB6] =	sst s8  }
0x11: {  	[smem:$0x3FB7] =	sst s9;
	s0 =	simm.s32 @!p0 $0x0  }
0x12: {  	s1 =	sld [smem:$0x3F9D];
	s0 =	simm.s32 @p0 $0x1  }
0x13: {  	[smem:$0x3FB8] =	sst s0;
	s0 =	simm.s32 @!p1 $0x0  }
0x14: {  	s2 =	sld [smem:$0x3F9C];
	s0 =	simm.s32 @p1 $0x1  }
0x15: {  	[smem:$0x3FB9] =	sst s0;
	s0 =	simm.s32 @!p2 $0x0  }
0x16: {  	s3 =	sld [smem:$0x3FDB];
	s0 =	simm.s32 @p2 $0x1  }
0x17: {  	s4 =	simm.s32 $0x1BF5;
	[smem:$0x3FBB] =	sst s0  }
0x18: {  	s0 =	sld [smem:$0x3F9E];
	_ =	swait.ge [sflag:s4], $0x0  }
0x19: {  	s7 =	sld [smem:$0x3F9F]  }
0x1a: {  	s8 =	sadd.s32 $0xFFFFE003, lr  }
0x1b: {  	s9 =	sadd.s32 $0xFFFFFEF7, lr;
	s5 =	simm.s32 $0xFFFFFFFF;
	p2 =	slt.u32 s8, $0xFFFFF086  }
0x1c: {  	p1 =	slt.u32 s9, $0xF7A;
	s5 =	simm.s32 @!p2 $0x0  }
0x1d: {  	s5 =	simm.s32 @p1 $0x1;
	p0 =	seq.s32 s7, s2  }
0x1e: {  	s7 =	smul.u32 @!p0 $0xF7A, s2;
	p2 =	seq.s32 @!p0 s5, $0x0  }
0x1f: {  	s9 =	smul.u32 $0xF7A, s1;
	s8 =	simm.s32 @!p0 $0x1BF5;
	p2 =	por !p2, p0  }
0x20: {  	[sflag:s8] =	ssyncset.s32 @!p0 $0xFFFFF086;
	s6 =	sadd.s32 @!p0 s3, s7;
	s7 =	simm.s32 @!p0 $0x108  }
0x21: {  	s3 =	sadd.s32 s3, s9;
	s6 =	sadd.s32 @!p0 $0x88, s6;
	s7 =	simm.s32 @p2 $0x1082  }
0x22: {  	[simem:s7], [sflag:s8] =	dma.local @!p0 [hbm:s6], $0xF7A  }
0x23: {  	s9 =	sor.u32 $0xD0000000, s2;
	s6 =	simm.s32 $0x108;
	_ =	swait.ge @!p0 [sflag:s8], $0x0  }
0x24: {  	s3 =	sadd.s32 $0x88, s3;
	s6 =	simm.s32 @!p1 $0x1082;
	[sflag:s4] =	ssyncset.s32 $0xFFFFF086  }
0x25: {  	[simem:s6], [sflag:s4] =	dma.local [hbm:s3], $0xF7A  }
0x26: {  	[smem:$0x3F9F] =	sst s1;
	(tag) =	ssettag s2;
	_ =	strace s9  }
0x27: {  	s1 =	sld [smem:$0x3FAF]  }
0x28: {  	s2 =	sld [smem:$0x3FB0]  }
0x29: {  	s4 =	sld [smem:$0x3FB2]  }
0x2a: {  	p0 =	seq.s32 s5, $0x0;
	s5 =	sld [smem:$0x3FB3]  }
0x2b: {  	s6 =	sld [smem:$0x3FB4]  }
0x2c: {  	s7 =	sld [smem:$0x3FB5]  }
0x2d: {  	s3 =	simm.s32 $0x108;
	s8 =	sld [smem:$0x3FB6]  }
0x2e: {  	s3 =	simm.s32 @!p0 $0x1082;
	s9 =	sld [smem:$0x3FB7]  }
0x2f: {  	lr =	sadd.s32 s0, s3;
	s0 =	sld [smem:$0x3FAE]  }
0x30: {  	s3 =	sld [smem:$0x3FB1]  }
0x31: {  	[smem:$0x3FBA] =	sst s10  }
0x32: {  	s10 =	sld [smem:$0x3FB8];
	_ =	sdelay $0x3  }
0x33: {  	p0 =	seq.s32 s10, $0x1;
	s10 =	sld [smem:$0x3FBA];
	_ =	sdelay $0x3  }
0x34: {  	[smem:$0x3FBA] =	sst s10  }
0x35: {  	s10 =	sld [smem:$0x3FB9];
	_ =	sdelay $0x3  }
0x36: {  	p1 =	seq.s32 s10, $0x1;
	s10 =	sld [smem:$0x3FBA];
	_ =	sdelay $0x3  }
0x37: {  	[smem:$0x3FBA] =	sst s10  }
0x38: {  	s10 =	sld [smem:$0x3FBB]  }
0x39: {  	_ = 	snop;
	(pc) =	sbr.ind lr, $3  }
0x3a: {  	_ = 	snop  }
0x3b: {  	_ = 	snop  }
0x3c: {  	p2 =	seq.s32 s10, $0x1;
	s10 =	sld [smem:$0x3FBA]  }
0x3d: {  	_ =	shalt  }
0x3e: {  	_ =	shalt  }
0x3f: {  	_ =	shalt  }
0x40: {  	_ =	shalt  }
0x41: {  	_ =	shalt  }
0x42: {  	_ =	shalt  }
0x43: {  	_ =	shalt  }
0x44: {  	_ =	shalt  }
0x45: {  	_ =	shalt  }
0x46: {  	_ =	shalt  }
0x47: {  	_ =	shalt  }
0x48: {  	_ =	shalt  }
0x49: {  	_ =	shalt  }
0x4a: {  	_ =	shalt  }
0x4b: {  	_ =	shalt  }
0x4c: {  	_ =	shalt  }
0x4d: {  	_ =	shalt  }
0x4e: {  	_ =	shalt  }
0x4f: {  	_ =	shalt  }
0x50: {  	_ =	shalt  }
0x51: {  	_ =	shalt  }
0x52: {  	_ =	shalt  }
0x53: {  	_ =	shalt  }
0x54: {  	_ =	shalt  }
0x55: {  	_ =	shalt  }
0x56: {  	_ =	shalt  }
0x57: {  	_ =	shalt  }
0x58: {  	_ =	shalt  }
0x59: {  	_ =	shalt  }
0x5a: {  	_ =	shalt  }
0x5b: {  	_ =	shalt  }
0x5c: {  	_ =	shalt  }
0x5d: {  	_ =	shalt  }
0x5e: {  	_ =	shalt  }
0x5f: {  	_ =	shalt  }
0x60: {  	_ =	shalt  }
0x61: {  	_ =	shalt  }
0x62: {  	_ =	shalt  }
0x63: {  	_ =	shalt  }
0x64: {  	_ =	shalt  }
0x65: {  	_ =	shalt  }
0x66: {  	_ =	shalt  }
0x67: {  	_ =	shalt  }
0x68: {  	_ =	shalt  }
0x69: {  	_ =	shalt  }
0x6a: {  	_ =	shalt  }
0x6b: {  	_ =	shalt  }
0x6c: {  	_ =	shalt  }
0x6d: {  	_ =	shalt  }
0x6e: {  	_ =	shalt  }
0x6f: {  	_ =	shalt  }
0x70: {  	_ =	shalt  }
0x71: {  	_ =	shalt  }
0x72: {  	_ =	shalt  }
0x73: {  	_ =	shalt  }
0x74: {  	_ =	shalt  }
0x75: {  	_ =	shalt  }
0x76: {  	_ =	shalt  }
0x77: {  	_ =	shalt  }
0x78: {  	_ =	shalt  }
0x79: {  	_ =	shalt  }
0x7a: {  	_ =	shalt  }
0x7b: {  	_ =	shalt  }
0x7c: {  	_ =	shalt  }
0x7d: {  	_ =	shalt  }
0x7e: {  	_ =	shalt  }
0x7f: {  	_ =	shalt  }
0x80: {  	_ =	shalt  }
0x81: {  	_ =	shalt  }
0x82: {  	_ =	shalt  }
0x83: {  	_ =	shalt  }
0x84: {  	_ =	shalt  }
0x85: {  	_ =	shalt  }
0x86: {  	_ =	shalt  }
0x87: {  	_ =	shalt  }
.Lfunc_end0:
.L_simem_size_0:
called_computation_lowered:
.L_overlay_start_0:
0x88: {  	s2 =	sld [smem:$0x3FD9]  }
0x89: {  	s3 =	sld [smem:$0x3FFE];
	_ =	sdelay $0x1  }
0x8a: {  	s1 =	srdreg.scid  }
0x8b: {  	s0 =	sand.u32 $0x1, s1  }
0x8c: {  	s17 =	sshll.u32 s0, $0xA;
	s2 =	sadd.s32 s3, s2  }
0x8d: {  	s2 =	sadd.s32 s2, s17  }
0x8e: {  	[smem:$0x3FC6] =	sst s2  }
0x8f: {  	_ = 	snop  }
0x90: {  	s2 =	sld [smem:$0x3FC9]  }
0x91: {  	s18 =	sld [smem:$0x3FC8];
	(tm) =	ssettm $0x1  }
0x92: {  	s4 =	sld [smem:$0x3FFB];
	_ =	sdelay $0x3  }
0x93: {  	_ =	strace s4  }
0x94: {  	s4 =	sld [smem:$0x3FFC];
	_ =	sdelay $0x3  }
0x95: {  	_ =	strace s4  }
0x96: {  	s4 =	sld [smem:$0x3FFD];
	_ =	sdelay $0x3  }
0x97: {  	_ =	strace s4  }
0x98: {  	_ =	strace $0x8FFFFFFF  }
0x99: {  	s19 =	sld [smem:$0x3FDB];
	_ =	sdelay $0x1  }
0x9a: {  	s5 =	simm.s32 $_scs_section_size  }
0x9b: {  	s6 =	simm.s32 $_size__tile_overlayer_lowered;
	s7 =	simm.s32 $_tile_overlayer_lowered  }
0x9c: {  	s22 =	simm.s32 $0x1BFF;
	s21 =	sshll.u32 s7, $0x1;
	s4 =	sadd.s32 s5, s19  }
0x9d: {  	s8 =	simm.s32 $0x0;
	s20 =	sshll.u32 s6, $0x1;
	s6 =	sadd.s32 s21, s4  }
0x9e: {  	[timem:s8], [sflag:s22] =	dma.local [hbm:s6], s20  }
0x9f: {  	_ =	swait.ge [sflag:s22], s20  }
0xa0: {  	s5 =	ssub.s32 $0x0, s20;
	[sflag:s22] =	ssyncset.done $0x0  }
0xa1: {  	[sflag:s22] =	ssyncadd.s32 s5;
	_ =	sdelay $0x1  }
0xa2: {  	s23 =	simm.s32 $0x1B8B  }
0xa3: {  	_ =	swait.ge [sflag:s23], $0x1  }
0xa4: {  	[sflag:s23] =	ssyncset.done $0x0  }
0xa5: {  	s25 =	simm.s32 $0x1B8E;
	s24 =	sld [smem:$0x3FFE];
	[sflag:s23] =	ssyncadd.s32 $0xFFFFFFFF  }
0xa6: {  	s26 =	simm.s32 $execute0_lowered;
	[smem:$0x3FD2] =	sst s25  }
0xa7: {  	s6 =	sshll.u32 s26, $0x1;
	_ =	strace $0x80000046;
	[dreg:$0x1] =	wrdreg $0xFFFFFFFF  }
0xa8: {  	s28 =	simm.s32 $_size_execute0_lowered;
	s4 =	sadd.s32 s4, s6;
	[dreg:$0x0] =	wrdreg $0x0  }
0xa9: {  	s6 =	sshll.u32 s28, $0x1;
	[dreg:$0x2] =	wrdreg s4  }
0xaa: {  	[dreg:$0x3] =	wrdreg s6  }
0xab: {  	[dreg:$0x4] =	wrdreg $0xC0  }
0xac: {  	_ =	task [dreg:s8], $0x5FFFF  }
0xad: {  	[dreg:$0x1] =	wrdreg $0xFFFFFFFF  }
0xae: {  	[dreg:$0x0] =	wrdreg $0x60  }
0xaf: {  	[dreg:$0x2] =	wrdreg s2  }
0xb0: {  	[dreg:$0x3] =	wrdreg s18  }
0xb1: {  	[dreg:$0x4] =	wrdreg s24  }
0xb2: {  	[dreg:$0x5] =	wrdreg $0x9  }
0xb3: {  	_ =	task.clear_ibuf [dreg:s8], $0x6FFFF;
	_ =	strace $0x90000046  }
0xb4: {  	s29 =	simm.s32 $0x9;
	_ =	strace $0x80000048  }
0xb5: {  	_ =	swait.ge [sflag:s29], $0x1  }
0xb6: {  	[sflag:s29] =	ssyncadd.s32 $0xFFFFFFFF  }
0xb7: {  	_ =	strace $0x90000048  }
0xb8: {  	_ =	sfence  }
0xb9: {  	s30 =	sld [smem:$0x0];
	_ =	sdelay $0x2  }
0xba: {  	s31 =	sshll.u32 s1, $0xD;
	s1 =	sshrl.u32 s1, $0x2  }
0xbb: {  	s3 =	sand.u32 $0x4000, s31;
	s1 =	sadd.s32 s1, s30  }
0xbc: {  	s0 =	sor.u32 s3, s0;
	s1 =	sshll.u32 s1, $0x11  }
0xbd: {  	s0 =	sor.u32 s1, s0  }
0xbe: {  	s0 =	sadd.s32 $0x8F2B, s0  }
0xbf: {  	[sflag:s0] =	ssyncadd.remote.s32 $0x1  }
0xc0: {  	_ =	sfence.sel $0xFFFF  }
0xc1: {  	[dreg:$0x0] =	wrdreg $0xFFFFFFFF;
	(pc) =	sbr.abs _section_cstart, $3  }
0xc2: {  	[dreg:$0x1] =	wrdreg $0xFFFFFFFF  }
0xc3: {  	_ =	task.clear_ibuf [dreg:s8], $0x2FFFF;
	_ =	strace $0x9FFFFFFF  }
0xc4: {  	(tm) =	ssettm $0x7FFFFFFF  }
0xc5: {  	_ =	shalt  }
tec
execute0_lowered:
.L_overlay_start_1:
0x0: {  	(tag) =	ssettag $0x1  }
0x1: {  	s0 =	rddreg [dreg:$0x0]  }
0x2: {  	s1 =	rddreg [dreg:$0x1]  }
0x3: {  	s3 =	rddreg [dreg:$0x2]  }
0x4: {  	s2 =	simm.s32 $0x0;
	s4 =	srdreg.scid;
	s5 =	stileid.u32  }
0x5: {  	s9 =	simm.s32 $0x1;
	s26 =	simm.s32 $0x2;
	s10 =	simm.s32 $0x3B00  }
0x6: {  	v0 =	vimm.s32 $0x7;
	v1 =	vimm.s32 $0x5;
	s11 =	simm.s32 $0x3B80;
	s12 =	simm.s32 $0x3C00;
	s13 =	simm.s32 $0x3C80  }
0x7: {  	v2 =	vimm.s32 $0x0;
	v3 =	vlaneseq.u32;
	vm0 =	vmmov $0x1;
	s14 =	simm.s32 $0x3D00;
	s15 =	simm.s32 $0x3D80;
	s16 =	simm.s32 $0x3E00  }
0x8: {  	v4 =	vimm.s32 $0x1;
	v5 =	vimm.s32 $0x2;
	v6 =	vimm.s32 $0x3;
	s17 =	simm.s32 $0x3E80;
	s18 =	simm.s32 $0x3F00;
	s19 =	simm.s32 $0x3F80  }
0x9: {  	v7 =	vimm.s32 $0x4;
	v8 =	vimm.s32 $0x6;
	v9 =	vimm.s32 $0x8;
	s20 =	simm.s32 $0x4000;
	s21 =	simm.s32 $0x3;
	s22 =	simm.s32 $0x4  }
0xa: {  	v10 =	vimm.s32 $0x9;
	v11 =	vimm.s32 $0xA;
	v12 =	vimm.s32 $0xB;
	s23 =	simm.s32 $0x5;
	s24 =	simm.s32 $0x6;
	s25 =	simm.s32 $0x4080  }
0xb: {  	v13 =	vimm.s32 $0xC;
	v14 =	vimm.s32 $0xD;
	v15 =	vimm.s32 $0xE;
	s28 =	simm.s32 $0x7;
	s4 =	sand.u32 $0x1, s4;
	s5 =	sshll.u32 s5, $0x1  }
0xc: {  	v16 =	vimm.s32 $0xF;
	vm1 =	vcmask $0x308;
	vm2 =	vmmov $0x7fff;
	s29 =	simm.s32 $0x0;
	[smem:$0x7FF] =	sst s2;
	s5 =	sor.u32 s4, s5  }
0xd: {  	v17 =	vimm.s32 $0x0;
	vm4 =	vcmask $0xB10;
	vm5 =	vcmask $0xF14;
	_ =	strace $0x80000047;
	s4 =	ssub.s32 $0x2, s4;
	s6 =	sshll.u32 s5, $0x1  }
0xe: {  	vm6 =	vcmask $0x1318;
	vm7 =	vcmask $0x171C;
	vm8 =	vcmask $0x1B20;
	s7 =	sshll.u32 s5, $0x4;
	s8 =	sshrl.u32 s4, $0x1;
	s5 =	sshll.u32 s5, $0x7  }
0xf: {  	vm9 =	vcmask $0x1F24;
	vm10 =	vcmask $0x2328;
	vm11 =	vcmask $0x272C;
	s6 =	sadd.s32 s6, s3;
	s3 =	sadd.s32 s1, s7;
	s31 =	ssub.s32 s4, s8  }
0x10: {  	vm12 =	vcmask $0x2B30;
	vm13 =	vcmask $0x2F34;
	v17 =	vsel vm2, $0xFFFFFFFF, v17;
	s5 =	sadd.s32 s0, s5;
	s1 =	simm.s32 $0x3A00;
	s8 =	simm.s32 $0x3A80  }
0x11: {  	vm14 =	vcmask $0x3338;
	vm15 =	vcmask $0x373C;
	v3 =	vmul.u32 $0x8, v3;
	[tilespmem:$0x1FFF0] =	vst v17;
	s4 =	sadd.s32 $0x8, s3;
	s6 =	sadd.s32 $0x600, s6;
	s7 =	smax.u32 s31, $0x1  }
.LBB2_1:
0x12: {  	[tilespmem:s2], [sflag:$0x1] =	stream.linear.gather [hbm4b:s3+s2], $0x40, $0x38;
	[tilespmem:$0x4100] =	vst v63  }
0x13: {  	s0 =	simm.s32 $0x40  }
0x14: {  	[tilespmem:s0], [sflag:$0x2] =	stream.linear.gather [hbm4b:s4+s2], $0x40, $0x38;
	[tilespmem:$0x4100] =	vst v63  }
0x15: {  	_ =	swait.ge [sflag:s9], $0x40  }
0x16: {  	[sflag:s9] =	ssyncset.done $0x0  }
0x17: {  	[sflag:s9] =	ssyncadd.s32 $0xFFFFFFC0  }
0x18: {  	v17 =	vld [tilespmem:$0x0];
	_ =	sdelay $0x4  }
0x19: {  	v18 =	vshll.u32 v17, $0x5  }
0x1a: {  	v17 =	vand.u32 $0x7, v17;
	v18 =	vand.u32 $0xFFFFFF00, v18  }
0x1b: {  	v17 =	vor.u32 v17, v18  }
0x1c: {  	v18 =	vperm.xlane v17, v2;
	_ =	sdelay $0x1  }
0x1d: {  	v19 =	vperm.xlane v17, v4;
	v18 =	vadd.s32 v3, v18;
	_ =	sdelay $0x1  }
0x1e: {  	v20 =	vperm.xlane v17, v5;
	v19 =	vadd.s32 v3, v19;
	_ =	sdelay $0x1  }
0x1f: {  	s31 =	simm.s32 $0x80;
	v21 =	vperm.xlane v17, v6;
	v20 =	vadd.s32 v3, v20  }
0x20: {  	[tilespmem:s31], [sflag:$0x3] =	stream.indirect_vreg.gather [hbm4b:s5+s2], $0x80, v18, vm0, $0xb8;
	[tilespmem:$0x4100] =	vst v63  }
0x21: {  	s30 =	simm.s32 $0x100;
	v50 =	vperm.xlane v17, v7;
	v18 =	vadd.s32 v3, v21  }
0x22: {  	[tilespmem:s30], [sflag:$0x3] =	stream.indirect_vreg.gather [hbm4b:s5+s2], $0x80, v19, vm0, $0xb8;
	[tilespmem:$0x4100] =	vst v63  }
0x23: {  	v51 =	vperm.xlane v17, v1;
	s31 =	simm.s32 $0x180;
	v19 =	vadd.s32 v3, v50  }
0x24: {  	[tilespmem:s31], [sflag:$0x3] =	stream.indirect_vreg.gather [hbm4b:s5+s2], $0x80, v20, vm0, $0xb8;
	[tilespmem:$0x4100] =	vst v63  }
0x25: {  	v53 =	vperm.xlane v17, v8;
	v52 =	vadd.s32 v3, v51;
	s30 =	simm.s32 $0x200  }
0x26: {  	[tilespmem:s30], [sflag:$0x3] =	stream.indirect_vreg.gather [hbm4b:s5+s2], $0x80, v18, vm0, $0xb8;
	[tilespmem:$0x4100] =	vst v63  }
0x27: {  	v54 =	vperm.xlane v17, v0;
	s31 =	simm.s32 $0x280;
	v18 =	vadd.s32 v3, v53  }
0x28: {  	[tilespmem:s31], [sflag:$0x3] =	stream.indirect_vreg.gather [hbm4b:s5+s2], $0x80, v19, vm0, $0xb8;
	[tilespmem:$0x4100] =	vst v63  }
0x29: {  	v55 =	vperm.xlane v17, v9;
	s30 =	simm.s32 $0x300;
	v19 =	vadd.s32 v3, v54  }
0x2a: {  	[tilespmem:s30], [sflag:$0x3] =	stream.indirect_vreg.gather [hbm4b:s5+s2], $0x80, v52, vm0, $0xb8;
	[tilespmem:$0x4100] =	vst v63  }
0x2b: {  	v57 =	vperm.xlane v17, v10;
	v56 =	vadd.s32 v3, v55;
	s31 =	simm.s32 $0x380  }
0x2c: {  	[tilespmem:s31], [sflag:$0x3] =	stream.indirect_vreg.gather [hbm4b:s5+s2], $0x80, v18, vm0, $0xb8;
	[tilespmem:$0x4100] =	vst v63  }
0x2d: {  	v58 =	vperm.xlane v17, v11;
	s30 =	simm.s32 $0x400;
	v18 =	vadd.s32 v3, v57  }
0x2e: {  	[tilespmem:s30], [sflag:$0x3] =	stream.indirect_vreg.gather [hbm4b:s5+s2], $0x80, v19, vm0, $0xb8;
	[tilespmem:$0x4100] =	vst v63  }
0x2f: {  	v59 =	vperm.xlane v17, v12;
	s31 =	simm.s32 $0x480;
	v19 =	vadd.s32 v3, v58  }
0x30: {  	[tilespmem:s31], [sflag:$0x3] =	stream.indirect_vreg.gather [hbm4b:s5+s2], $0x80, v56, vm0, $0xb8;
	[tilespmem:$0x4100] =	vst v63  }
0x31: {  	v61 =	vperm.xlane v17, v13;
	v60 =	vadd.s32 v3, v59;
	s30 =	simm.s32 $0x500  }
0x32: {  	[tilespmem:s30], [sflag:$0x3] =	stream.indirect_vreg.gather [hbm4b:s5+s2], $0x80, v18, vm0, $0xb8;
	[tilespmem:$0x4100] =	vst v63  }
0x33: {  	v62 =	vperm.xlane v17, v14;
	s31 =	simm.s32 $0x580;
	v18 =	vadd.s32 v3, v61  }
0x34: {  	[tilespmem:s31], [sflag:$0x3] =	stream.indirect_vreg.gather [hbm4b:s5+s2], $0x80, v19, vm0, $0xb8;
	[tilespmem:$0x4100] =	vst v63  }
0x35: {  	v63 =	vperm.xlane v17, v15;
	s30 =	simm.s32 $0x600;
	v19 =	vadd.s32 v3, v62  }
0x36: {  	[tilespmem:s30], [sflag:$0x3] =	stream.indirect_vreg.gather [hbm4b:s5+s2], $0x80, v60, vm0, $0xb8;
	[tilespmem:$0x4100] =	vst v63  }
0x37: {  	v17 =	vperm.xlane v17, v16;
	v24 =	vadd.s32 v3, v63;
	s31 =	simm.s32 $0x680  }
0x38: {  	[tilespmem:s31], [sflag:$0x3] =	stream.indirect_vreg.gather [hbm4b:s5+s2], $0x80, v18, vm0, $0xb8;
	[tilespmem:$0x4100] =	vst v63  }
0x39: {  	v17 =	vadd.s32 v3, v17;
	s30 =	simm.s32 $0x700  }
0x3a: {  	[tilespmem:s30], [sflag:$0x3] =	stream.indirect_vreg.gather [hbm4b:s5+s2], $0x80, v19, vm0, $0xb8;
	[tilespmem:$0x4100] =	vst v63  }
0x3b: {  	s31 =	simm.s32 $0x780  }
0x3c: {  	[tilespmem:s31], [sflag:$0x3] =	stream.indirect_vreg.gather [hbm4b:s5+s2], $0x80, v24, vm0, $0xb8;
	[tilespmem:$0x4100] =	vst v63  }
0x3d: {  	s30 =	simm.s32 $0x800  }
0x3e: {  	[tilespmem:s30], [sflag:$0x3] =	stream.indirect_vreg.gather [hbm4b:s5+s2], $0x80, v17, vm0, $0xb8;
	[tilespmem:$0x4100] =	vst v63  }
0x3f: {  	v17 =	vld [tilespmem:$0x10];
	_ =	sdelay $0x4  }
0x40: {  	v18 =	vshll.u32 v17, $0x5  }
0x41: {  	v17 =	vand.u32 $0x7, v17;
	v18 =	vand.u32 $0xFFFFFF00, v18  }
0x42: {  	v17 =	vor.u32 v17, v18  }
0x43: {  	v18 =	vperm.xlane v17, v2;
	_ =	sdelay $0x1  }
0x44: {  	v19 =	vperm.xlane v17, v4;
	v18 =	vadd.s32 v3, v18;
	_ =	sdelay $0x1  }
0x45: {  	v25 =	vperm.xlane v17, v5;
	v19 =	vadd.s32 v3, v19;
	_ =	sdelay $0x1  }
0x46: {  	s31 =	simm.s32 $0x880;
	v26 =	vperm.xlane v17, v6;
	v20 =	vadd.s32 v3, v25  }
0x47: {  	[tilespmem:s31], [sflag:$0x3] =	stream.indirect_vreg.gather [hbm4b:s5+s2], $0x80, v18, vm0, $0xb8;
	[tilespmem:$0x4100] =	vst v63  }
0x48: {  	s30 =	simm.s32 $0x900;
	v27 =	vperm.xlane v17, v7;
	v18 =	vadd.s32 v3, v26  }
0x49: {  	[tilespmem:s30], [sflag:$0x3] =	stream.indirect_vreg.gather [hbm4b:s5+s2], $0x80, v19, vm0, $0xb8;
	[tilespmem:$0x4100] =	vst v63  }
0x4a: {  	v28 =	vperm.xlane v17, v1;
	s31 =	simm.s32 $0x980;
	v19 =	vadd.s32 v3, v27  }
0x4b: {  	[tilespmem:s31], [sflag:$0x3] =	stream.indirect_vreg.gather [hbm4b:s5+s2], $0x80, v20, vm0, $0xb8;
	[tilespmem:$0x4100] =	vst v63  }
0x4c: {  	v30 =	vperm.xlane v17, v8;
	v29 =	vadd.s32 v3, v28;
	s30 =	simm.s32 $0xA00  }
0x4d: {  	[tilespmem:s30], [sflag:$0x3] =	stream.indirect_vreg.gather [hbm4b:s5+s2], $0x80, v18, vm0, $0xb8;
	[tilespmem:$0x4100] =	vst v63  }
0x4e: {  	v31 =	vperm.xlane v17, v0;
	s31 =	simm.s32 $0xA80;
	v18 =	vadd.s32 v3, v30  }
0x4f: {  	[tilespmem:s31], [sflag:$0x3] =	stream.indirect_vreg.gather [hbm4b:s5+s2], $0x80, v19, vm0, $0xb8;
	[tilespmem:$0x4100] =	vst v63  }
0x50: {  	v32 =	vperm.xlane v17, v9;
	s30 =	simm.s32 $0xB00;
	v19 =	vadd.s32 v3, v31  }
0x51: {  	[tilespmem:s30], [sflag:$0x3] =	stream.indirect_vreg.gather [hbm4b:s5+s2], $0x80, v29, vm0, $0xb8;
	[tilespmem:$0x4100] =	vst v63  }
0x52: {  	v34 =	vperm.xlane v17, v10;
	v33 =	vadd.s32 v3, v32;
	s31 =	simm.s32 $0xB80  }
0x53: {  	[tilespmem:s31], [sflag:$0x3] =	stream.indirect_vreg.gather [hbm4b:s5+s2], $0x80, v18, vm0, $0xb8;
	[tilespmem:$0x4100] =	vst v63  }
0x54: {  	v35 =	vperm.xlane v17, v11;
	s30 =	simm.s32 $0xC00;
	v18 =	vadd.s32 v3, v34  }
0x55: {  	[tilespmem:s30], [sflag:$0x3] =	stream.indirect_vreg.gather [hbm4b:s5+s2], $0x80, v19, vm0, $0xb8;
	[tilespmem:$0x4100] =	vst v63  }
0x56: {  	v36 =	vperm.xlane v17, v12;
	s31 =	simm.s32 $0xC80;
	v19 =	vadd.s32 v3, v35  }
0x57: {  	[tilespmem:s31], [sflag:$0x3] =	stream.indirect_vreg.gather [hbm4b:s5+s2], $0x80, v33, vm0, $0xb8;
	[tilespmem:$0x4100] =	vst v63  }
0x58: {  	v38 =	vperm.xlane v17, v13;
	v37 =	vadd.s32 v3, v36;
	s30 =	simm.s32 $0xD00  }
0x59: {  	[tilespmem:s30], [sflag:$0x3] =	stream.indirect_vreg.gather [hbm4b:s5+s2], $0x80, v18, vm0, $0xb8;
	[tilespmem:$0x4100] =	vst v63  }
0x5a: {  	v39 =	vperm.xlane v17, v14;
	s31 =	simm.s32 $0xD80;
	v18 =	vadd.s32 v3, v38  }
0x5b: {  	[tilespmem:s31], [sflag:$0x3] =	stream.indirect_vreg.gather [hbm4b:s5+s2], $0x80, v19, vm0, $0xb8;
	[tilespmem:$0x4100] =	vst v63  }
0x5c: {  	v40 =	vperm.xlane v17, v15;
	s30 =	simm.s32 $0xE00;
	v19 =	vadd.s32 v3, v39  }
0x5d: {  	[tilespmem:s30], [sflag:$0x3] =	stream.indirect_vreg.gather [hbm4b:s5+s2], $0x80, v37, vm0, $0xb8;
	[tilespmem:$0x4100] =	vst v63  }
0x5e: {  	v17 =	vperm.xlane v17, v16;
	v41 =	vadd.s32 v3, v40;
	s31 =	simm.s32 $0xE80  }
0x5f: {  	[tilespmem:s31], [sflag:$0x3] =	stream.indirect_vreg.gather [hbm4b:s5+s2], $0x80, v18, vm0, $0xb8;
	[tilespmem:$0x4100] =	vst v63  }
0x60: {  	v17 =	vadd.s32 v3, v17;
	s30 =	simm.s32 $0xF00  }
0x61: {  	[tilespmem:s30], [sflag:$0x3] =	stream.indirect_vreg.gather [hbm4b:s5+s2], $0x80, v19, vm0, $0xb8;
	[tilespmem:$0x4100] =	vst v63  }
0x62: {  	s31 =	simm.s32 $0xF80  }
0x63: {  	[tilespmem:s31], [sflag:$0x3] =	stream.indirect_vreg.gather [hbm4b:s5+s2], $0x80, v41, vm0, $0xb8;
	[tilespmem:$0x4100] =	vst v63  }
0x64: {  	s30 =	simm.s32 $0x1000  }
0x65: {  	[tilespmem:s30], [sflag:$0x3] =	stream.indirect_vreg.gather [hbm4b:s5+s2], $0x80, v17, vm0, $0xb8;
	[tilespmem:$0x4100] =	vst v63  }
0x66: {  	v17 =	vld [tilespmem:$0x20];
	_ =	sdelay $0x4  }
0x67: {  	v18 =	vshll.u32 v17, $0x5  }
0x68: {  	v17 =	vand.u32 $0x7, v17;
	v18 =	vand.u32 $0xFFFFFF00, v18  }
0x69: {  	v17 =	vor.u32 v17, v18  }
0x6a: {  	v18 =	vperm.xlane v17, v2;
	_ =	sdelay $0x1  }
0x6b: {  	v19 =	vperm.xlane v17, v4;
	v18 =	vadd.s32 v3, v18;
	_ =	sdelay $0x1  }
0x6c: {  	v42 =	vperm.xlane v17, v5;
	v19 =	vadd.s32 v3, v19;
	_ =	sdelay $0x1  }
0x6d: {  	s31 =	simm.s32 $0x1080;
	v43 =	vperm.xlane v17, v6;
	v20 =	vadd.s32 v3, v42  }
0x6e: {  	[tilespmem:s31], [sflag:$0x4] =	stream.indirect_vreg.gather [hbm4b:s5+s2], $0x80, v18, vm0, $0xb8;
	[tilespmem:$0x4100] =	vst v63  }
0x6f: {  	s30 =	simm.s32 $0x1100;
	v44 =	vperm.xlane v17, v7;
	v18 =	vadd.s32 v3, v43  }
0x70: {  	[tilespmem:s30], [sflag:$0x4] =	stream.indirect_vreg.gather [hbm4b:s5+s2], $0x80, v19, vm0, $0xb8;
	[tilespmem:$0x4100] =	vst v63  }
0x71: {  	v45 =	vperm.xlane v17, v1;
	s31 =	simm.s32 $0x1180;
	v19 =	vadd.s32 v3, v44  }
0x72: {  	[tilespmem:s31], [sflag:$0x4] =	stream.indirect_vreg.gather [hbm4b:s5+s2], $0x80, v20, vm0, $0xb8;
	[tilespmem:$0x4100] =	vst v63  }
0x73: {  	v47 =	vperm.xlane v17, v8;
	v46 =	vadd.s32 v3, v45;
	s30 =	simm.s32 $0x1200  }
0x74: {  	[tilespmem:s30], [sflag:$0x4] =	stream.indirect_vreg.gather [hbm4b:s5+s2], $0x80, v18, vm0, $0xb8;
	[tilespmem:$0x4100] =	vst v63  }
0x75: {  	v48 =	vperm.xlane v17, v0;
	s31 =	simm.s32 $0x1280;
	v18 =	vadd.s32 v3, v47  }
0x76: {  	[tilespmem:s31], [sflag:$0x4] =	stream.indirect_vreg.gather [hbm4b:s5+s2], $0x80, v19, vm0, $0xb8;
	[tilespmem:$0x4100] =	vst v63  }
0x77: {  	v49 =	vperm.xlane v17, v9;
	s30 =	simm.s32 $0x1300;
	v19 =	vadd.s32 v3, v48  }
0x78: {  	[tilespmem:s30], [sflag:$0x4] =	stream.indirect_vreg.gather [hbm4b:s5+s2], $0x80, v46, vm0, $0xb8;
	[tilespmem:$0x4100] =	vst v63  }
0x79: {  	v51 =	vperm.xlane v17, v10;
	v50 =	vadd.s32 v3, v49;
	s31 =	simm.s32 $0x1380  }
0x7a: {  	[tilespmem:s31], [sflag:$0x4] =	stream.indirect_vreg.gather [hbm4b:s5+s2], $0x80, v18, vm0, $0xb8;
	[tilespmem:$0x4100] =	vst v63  }
0x7b: {  	v52 =	vperm.xlane v17, v11;
	s30 =	simm.s32 $0x1400;
	v18 =	vadd.s32 v3, v51  }
0x7c: {  	[tilespmem:s30], [sflag:$0x4] =	stream.indirect_vreg.gather [hbm4b:s5+s2], $0x80, v19, vm0, $0xb8;
	[tilespmem:$0x4100] =	vst v63  }
0x7d: {  	v53 =	vperm.xlane v17, v12;
	s31 =	simm.s32 $0x1480;
	v19 =	vadd.s32 v3, v52  }
0x7e: {  	[tilespmem:s31], [sflag:$0x4] =	stream.indirect_vreg.gather [hbm4b:s5+s2], $0x80, v50, vm0, $0xb8;
	[tilespmem:$0x4100] =	vst v63  }
0x7f: {  	v55 =	vperm.xlane v17, v13;
	v54 =	vadd.s32 v3, v53;
	s30 =	simm.s32 $0x1500  }
0x80: {  	[tilespmem:s30], [sflag:$0x4] =	stream.indirect_vreg.gather [hbm4b:s5+s2], $0x80, v18, vm0, $0xb8;
	[tilespmem:$0x4100] =	vst v63  }
0x81: {  	v56 =	vperm.xlane v17, v14;
	s31 =	simm.s32 $0x1580;
	v18 =	vadd.s32 v3, v55  }
0x82: {  	[tilespmem:s31], [sflag:$0x4] =	stream.indirect_vreg.gather [hbm4b:s5+s2], $0x80, v19, vm0, $0xb8;
	[tilespmem:$0x4100] =	vst v63  }
0x83: {  	v57 =	vperm.xlane v17, v15;
	s30 =	simm.s32 $0x1600;
	v19 =	vadd.s32 v3, v56  }
0x84: {  	[tilespmem:s30], [sflag:$0x4] =	stream.indirect_vreg.gather [hbm4b:s5+s2], $0x80, v54, vm0, $0xb8;
	[tilespmem:$0x4100] =	vst v63  }
0x85: {  	v17 =	vperm.xlane v17, v16;
	v58 =	vadd.s32 v3, v57;
	s31 =	simm.s32 $0x1680  }
0x86: {  	[tilespmem:s31], [sflag:$0x4] =	stream.indirect_vreg.gather [hbm4b:s5+s2], $0x80, v18, vm0, $0xb8;
	[tilespmem:$0x4100] =	vst v63  }
0x87: {  	v17 =	vadd.s32 v3, v17;
	s30 =	simm.s32 $0x1700  }
0x88: {  	[tilespmem:s30], [sflag:$0x4] =	stream.indirect_vreg.gather [hbm4b:s5+s2], $0x80, v19, vm0, $0xb8;
	[tilespmem:$0x4100] =	vst v63  }
0x89: {  	s31 =	simm.s32 $0x1780  }
0x8a: {  	[tilespmem:s31], [sflag:$0x4] =	stream.indirect_vreg.gather [hbm4b:s5+s2], $0x80, v58, vm0, $0xb8;
	[tilespmem:$0x4100] =	vst v63  }
0x8b: {  	s30 =	simm.s32 $0x1800  }
0x8c: {  	[tilespmem:s30], [sflag:$0x4] =	stream.indirect_vreg.gather [hbm4b:s5+s2], $0x80, v17, vm0, $0xb8;
	[tilespmem:$0x4100] =	vst v63  }
0x8d: {  	v17 =	vld [tilespmem:$0x30];
	_ =	sdelay $0x4  }
0x8e: {  	v18 =	vshll.u32 v17, $0x5  }
0x8f: {  	v17 =	vand.u32 $0x7, v17;
	v18 =	vand.u32 $0xFFFFFF00, v18  }
0x90: {  	v17 =	vor.u32 v17, v18  }
0x91: {  	v18 =	vperm.xlane v17, v2;
	_ =	sdelay $0x1  }
0x92: {  	v19 =	vperm.xlane v17, v4;
	v18 =	vadd.s32 v3, v18;
	_ =	sdelay $0x1  }
0x93: {  	v59 =	vperm.xlane v17, v5;
	v19 =	vadd.s32 v3, v19;
	_ =	sdelay $0x1  }
0x94: {  	s31 =	simm.s32 $0x1880;
	v60 =	vperm.xlane v17, v6;
	v20 =	vadd.s32 v3, v59  }
0x95: {  	[tilespmem:s31], [sflag:$0x4] =	stream.indirect_vreg.gather [hbm4b:s5+s2], $0x80, v18, vm0, $0xb8;
	[tilespmem:$0x4100] =	vst v63  }
0x96: {  	s30 =	simm.s32 $0x1900;
	v61 =	vperm.xlane v17, v7;
	v18 =	vadd.s32 v3, v60  }
0x97: {  	[tilespmem:s30], [sflag:$0x4] =	stream.indirect_vreg.gather [hbm4b:s5+s2], $0x80, v19, vm0, $0xb8;
	[tilespmem:$0x4100] =	vst v63  }
0x98: {  	v62 =	vperm.xlane v17, v1;
	s31 =	simm.s32 $0x1980;
	v19 =	vadd.s32 v3, v61  }
0x99: {  	[tilespmem:s31], [sflag:$0x4] =	stream.indirect_vreg.gather [hbm4b:s5+s2], $0x80, v20, vm0, $0xb8;
	[tilespmem:$0x4100] =	vst v63  }
0x9a: {  	v24 =	vperm.xlane v17, v8;
	v63 =	vadd.s32 v3, v62;
	s30 =	simm.s32 $0x1A00  }
0x9b: {  	[tilespmem:s30], [sflag:$0x4] =	stream.indirect_vreg.gather [hbm4b:s5+s2], $0x80, v18, vm0, $0xb8;
	[tilespmem:$0x4100] =	vst v63  }
0x9c: {  	v25 =	vperm.xlane v17, v0;
	s31 =	simm.s32 $0x1A80;
	v18 =	vadd.s32 v3, v24  }
0x9d: {  	[tilespmem:s31], [sflag:$0x4] =	stream.indirect_vreg.gather [hbm4b:s5+s2], $0x80, v19, vm0, $0xb8;
	[tilespmem:$0x4100] =	vst v63  }
0x9e: {  	v26 =	vperm.xlane v17, v9;
	s30 =	simm.s32 $0x1B00;
	v19 =	vadd.s32 v3, v25  }
0x9f: {  	[tilespmem:s30], [sflag:$0x4] =	stream.indirect_vreg.gather [hbm4b:s5+s2], $0x80, v63, vm0, $0xb8;
	[tilespmem:$0x4100] =	vst v63  }
0xa0: {  	v28 =	vperm.xlane v17, v10;
	v27 =	vadd.s32 v3, v26;
	s31 =	simm.s32 $0x1B80  }
0xa1: {  	[tilespmem:s31], [sflag:$0x4] =	stream.indirect_vreg.gather [hbm4b:s5+s2], $0x80, v18, vm0, $0xb8;
	[tilespmem:$0x4100] =	vst v63  }
0xa2: {  	v29 =	vperm.xlane v17, v11;
	s30 =	simm.s32 $0x1C00;
	v18 =	vadd.s32 v3, v28  }
0xa3: {  	[tilespmem:s30], [sflag:$0x4] =	stream.indirect_vreg.gather [hbm4b:s5+s2], $0x80, v19, vm0, $0xb8;
	[tilespmem:$0x4100] =	vst v63  }
0xa4: {  	v30 =	vperm.xlane v17, v12;
	s31 =	simm.s32 $0x1C80;
	v19 =	vadd.s32 v3, v29  }
0xa5: {  	[tilespmem:s31], [sflag:$0x4] =	stream.indirect_vreg.gather [hbm4b:s5+s2], $0x80, v27, vm0, $0xb8;
	[tilespmem:$0x4100] =	vst v63  }
0xa6: {  	v32 =	vperm.xlane v17, v13;
	v31 =	vadd.s32 v3, v30;
	s30 =	simm.s32 $0x1D00  }
0xa7: {  	[tilespmem:s30], [sflag:$0x4] =	stream.indirect_vreg.gather [hbm4b:s5+s2], $0x80, v18, vm0, $0xb8;
	[tilespmem:$0x4100] =	vst v63  }
0xa8: {  	v33 =	vperm.xlane v17, v14;
	s31 =	simm.s32 $0x1D80;
	v18 =	vadd.s32 v3, v32  }
0xa9: {  	[tilespmem:s31], [sflag:$0x4] =	stream.indirect_vreg.gather [hbm4b:s5+s2], $0x80, v19, vm0, $0xb8;
	[tilespmem:$0x4100] =	vst v63  }
0xaa: {  	v34 =	vperm.xlane v17, v15;
	s30 =	simm.s32 $0x1E00;
	v19 =	vadd.s32 v3, v33  }
0xab: {  	[tilespmem:s30], [sflag:$0x4] =	stream.indirect_vreg.gather [hbm4b:s5+s2], $0x80, v31, vm0, $0xb8;
	[tilespmem:$0x4100] =	vst v63  }
0xac: {  	v17 =	vperm.xlane v17, v16;
	v35 =	vadd.s32 v3, v34;
	s31 =	simm.s32 $0x1E80  }
0xad: {  	[tilespmem:s31], [sflag:$0x4] =	stream.indirect_vreg.gather [hbm4b:s5+s2], $0x80, v18, vm0, $0xb8;
	[tilespmem:$0x4100] =	vst v63  }
0xae: {  	v17 =	vadd.s32 v3, v17;
	s30 =	simm.s32 $0x1F00  }
0xaf: {  	[tilespmem:s30], [sflag:$0x4] =	stream.indirect_vreg.gather [hbm4b:s5+s2], $0x80, v19, vm0, $0xb8;
	[tilespmem:$0x4100] =	vst v63  }
0xb0: {  	s31 =	simm.s32 $0x1F80  }
0xb1: {  	[tilespmem:s31], [sflag:$0x4] =	stream.indirect_vreg.gather [hbm4b:s5+s2], $0x80, v35, vm0, $0xb8;
	[tilespmem:$0x4100] =	vst v63  }
0xb2: {  	s30 =	simm.s32 $0x2000  }
0xb3: {  	[tilespmem:s30], [sflag:$0x4] =	stream.indirect_vreg.gather [hbm4b:s5+s2], $0x80, v17, vm0, $0xb8;
	[tilespmem:$0x4100] =	vst v63  }
0xb4: {  	_ =	swait.ge [sflag:s26], $0x40  }
0xb5: {  	[sflag:s26] =	ssyncset.done $0x0  }
0xb6: {  	[sflag:s26] =	ssyncadd.s32 $0xFFFFFFC0  }
0xb7: {  	v17 =	vld [tilespmem:$0x40];
	_ =	sdelay $0x4  }
0xb8: {  	v18 =	vshll.u32 v17, $0x5  }
0xb9: {  	v17 =	vand.u32 $0x7, v17;
	v18 =	vand.u32 $0xFFFFFF00, v18  }
0xba: {  	v17 =	vor.u32 v17, v18  }
0xbb: {  	v18 =	vperm.xlane v17, v2;
	_ =	sdelay $0x1  }
0xbc: {  	v19 =	vperm.xlane v17, v4;
	v18 =	vadd.s32 v3, v18;
	_ =	sdelay $0x1  }
0xbd: {  	v36 =	vperm.xlane v17, v5;
	v19 =	vadd.s32 v3, v19;
	_ =	sdelay $0x1  }
0xbe: {  	s31 =	simm.s32 $0x2080;
	v37 =	vperm.xlane v17, v6;
	v20 =	vadd.s32 v3, v36  }
0xbf: {  	[tilespmem:s31], [sflag:$0x5] =	stream.indirect_vreg.gather [hbm4b:s5+s2], $0x80, v18, vm0, $0xb8;
	[tilespmem:$0x4100] =	vst v63  }
0xc0: {  	s30 =	simm.s32 $0x2100;
	v38 =	vperm.xlane v17, v7;
	v18 =	vadd.s32 v3, v37  }
0xc1: {  	[tilespmem:s30], [sflag:$0x5] =	stream.indirect_vreg.gather [hbm4b:s5+s2], $0x80, v19, vm0, $0xb8;
	[tilespmem:$0x4100] =	vst v63  }
0xc2: {  	v39 =	vperm.xlane v17, v1;
	s31 =	simm.s32 $0x2180;
	v19 =	vadd.s32 v3, v38  }
0xc3: {  	[tilespmem:s31], [sflag:$0x5] =	stream.indirect_vreg.gather [hbm4b:s5+s2], $0x80, v20, vm0, $0xb8;
	[tilespmem:$0x4100] =	vst v63  }
0xc4: {  	v41 =	vperm.xlane v17, v8;
	v40 =	vadd.s32 v3, v39;
	s30 =	simm.s32 $0x2200  }
0xc5: {  	[tilespmem:s30], [sflag:$0x5] =	stream.indirect_vreg.gather [hbm4b:s5+s2], $0x80, v18, vm0, $0xb8;
	[tilespmem:$0x4100] =	vst v63  }
0xc6: {  	v42 =	vperm.xlane v17, v0;
	s31 =	simm.s32 $0x2280;
	v18 =	vadd.s32 v3, v41  }
0xc7: {  	[tilespmem:s31], [sflag:$0x5] =	stream.indirect_vreg.gather [hbm4b:s5+s2], $0x80, v19, vm0, $0xb8;
	[tilespmem:$0x4100] =	vst v63  }
0xc8: {  	v43 =	vperm.xlane v17, v9;
	s30 =	simm.s32 $0x2300;
	v19 =	vadd.s32 v3, v42  }
0xc9: {  	[tilespmem:s30], [sflag:$0x5] =	stream.indirect_vreg.gather [hbm4b:s5+s2], $0x80, v40, vm0, $0xb8;
	[tilespmem:$0x4100] =	vst v63  }
0xca: {  	v45 =	vperm.xlane v17, v10;
	v44 =	vadd.s32 v3, v43;
	s31 =	simm.s32 $0x2380  }
0xcb: {  	[tilespmem:s31], [sflag:$0x5] =	stream.indirect_vreg.gather [hbm4b:s5+s2], $0x80, v18, vm0, $0xb8;
	[tilespmem:$0x4100] =	vst v63  }
0xcc: {  	v46 =	vperm.xlane v17, v11;
	s30 =	simm.s32 $0x2400;
	v18 =	vadd.s32 v3, v45  }
0xcd: {  	[tilespmem:s30], [sflag:$0x5] =	stream.indirect_vreg.gather [hbm4b:s5+s2], $0x80, v19, vm0, $0xb8;
	[tilespmem:$0x4100] =	vst v63  }
0xce: {  	v47 =	vperm.xlane v17, v12;
	s31 =	simm.s32 $0x2480;
	v19 =	vadd.s32 v3, v46  }
0xcf: {  	[tilespmem:s31], [sflag:$0x5] =	stream.indirect_vreg.gather [hbm4b:s5+s2], $0x80, v44, vm0, $0xb8;
	[tilespmem:$0x4100] =	vst v63  }
0xd0: {  	v49 =	vperm.xlane v17, v13;
	v48 =	vadd.s32 v3, v47;
	s30 =	simm.s32 $0x2500  }
0xd1: {  	[tilespmem:s30], [sflag:$0x5] =	stream.indirect_vreg.gather [hbm4b:s5+s2], $0x80, v18, vm0, $0xb8;
	[tilespmem:$0x4100] =	vst v63  }
0xd2: {  	v50 =	vperm.xlane v17, v14;
	s31 =	simm.s32 $0x2580;
	v18 =	vadd.s32 v3, v49  }
0xd3: {  	[tilespmem:s31], [sflag:$0x5] =	stream.indirect_vreg.gather [hbm4b:s5+s2], $0x80, v19, vm0, $0xb8;
	[tilespmem:$0x4100] =	vst v63  }
0xd4: {  	v51 =	vperm.xlane v17, v15;
	s30 =	simm.s32 $0x2600;
	v19 =	vadd.s32 v3, v50  }
0xd5: {  	[tilespmem:s30], [sflag:$0x5] =	stream.indirect_vreg.gather [hbm4b:s5+s2], $0x80, v48, vm0, $0xb8;
	[tilespmem:$0x4100] =	vst v63  }
0xd6: {  	v17 =	vperm.xlane v17, v16;
	v52 =	vadd.s32 v3, v51;
	s31 =	simm.s32 $0x2680  }
0xd7: {  	[tilespmem:s31], [sflag:$0x5] =	stream.indirect_vreg.gather [hbm4b:s5+s2], $0x80, v18, vm0, $0xb8;
	[tilespmem:$0x4100] =	vst v63  }
0xd8: {  	v17 =	vadd.s32 v3, v17;
	s30 =	simm.s32 $0x2700  }
0xd9: {  	[tilespmem:s30], [sflag:$0x5] =	stream.indirect_vreg.gather [hbm4b:s5+s2], $0x80, v19, vm0, $0xb8;
	[tilespmem:$0x4100] =	vst v63  }
0xda: {  	s31 =	simm.s32 $0x2780  }
0xdb: {  	[tilespmem:s31], [sflag:$0x5] =	stream.indirect_vreg.gather [hbm4b:s5+s2], $0x80, v52, vm0, $0xb8;
	[tilespmem:$0x4100] =	vst v63  }
0xdc: {  	s30 =	simm.s32 $0x2800  }
0xdd: {  	[tilespmem:s30], [sflag:$0x5] =	stream.indirect_vreg.gather [hbm4b:s5+s2], $0x80, v17, vm0, $0xb8;
	[tilespmem:$0x4100] =	vst v63  }
0xde: {  	v17 =	vld [tilespmem:$0x50];
	_ =	sdelay $0x4  }
0xdf: {  	v18 =	vshll.u32 v17, $0x5  }
0xe0: {  	v17 =	vand.u32 $0x7, v17;
	v18 =	vand.u32 $0xFFFFFF00, v18  }
0xe1: {  	v17 =	vor.u32 v17, v18  }
0xe2: {  	v18 =	vperm.xlane v17, v2;
	_ =	sdelay $0x1  }
0xe3: {  	v19 =	vperm.xlane v17, v4;
	v18 =	vadd.s32 v3, v18;
	_ =	sdelay $0x1  }
0xe4: {  	v53 =	vperm.xlane v17, v5;
	v19 =	vadd.s32 v3, v19;
	_ =	sdelay $0x1  }
0xe5: {  	s31 =	simm.s32 $0x2880;
	v54 =	vperm.xlane v17, v6;
	v20 =	vadd.s32 v3, v53  }
0xe6: {  	[tilespmem:s31], [sflag:$0x5] =	stream.indirect_vreg.gather [hbm4b:s5+s2], $0x80, v18, vm0, $0xb8;
	[tilespmem:$0x4100] =	vst v63  }
0xe7: {  	s30 =	simm.s32 $0x2900;
	v55 =	vperm.xlane v17, v7;
	v18 =	vadd.s32 v3, v54  }
0xe8: {  	[tilespmem:s30], [sflag:$0x5] =	stream.indirect_vreg.gather [hbm4b:s5+s2], $0x80, v19, vm0, $0xb8;
	[tilespmem:$0x4100] =	vst v63  }
0xe9: {  	v56 =	vperm.xlane v17, v1;
	s31 =	simm.s32 $0x2980;
	v19 =	vadd.s32 v3, v55  }
0xea: {  	[tilespmem:s31], [sflag:$0x5] =	stream.indirect_vreg.gather [hbm4b:s5+s2], $0x80, v20, vm0, $0xb8;
	[tilespmem:$0x4100] =	vst v63  }
0xeb: {  	v58 =	vperm.xlane v17, v8;
	v57 =	vadd.s32 v3, v56;
	s30 =	simm.s32 $0x2A00  }
0xec: {  	[tilespmem:s30], [sflag:$0x5] =	stream.indirect_vreg.gather [hbm4b:s5+s2], $0x80, v18, vm0, $0xb8;
	[tilespmem:$0x4100] =	vst v63  }
0xed: {  	v59 =	vperm.xlane v17, v0;
	s31 =	simm.s32 $0x2A80;
	v18 =	vadd.s32 v3, v58  }
0xee: {  	[tilespmem:s31], [sflag:$0x5] =	stream.indirect_vreg.gather [hbm4b:s5+s2], $0x80, v19, vm0, $0xb8;
	[tilespmem:$0x4100] =	vst v63  }
0xef: {  	v60 =	vperm.xlane v17, v9;
	s30 =	simm.s32 $0x2B00;
	v19 =	vadd.s32 v3, v59  }
0xf0: {  	[tilespmem:s30], [sflag:$0x5] =	stream.indirect_vreg.gather [hbm4b:s5+s2], $0x80, v57, vm0, $0xb8;
	[tilespmem:$0x4100] =	vst v63  }
0xf1: {  	v62 =	vperm.xlane v17, v10;
	v61 =	vadd.s32 v3, v60;
	s31 =	simm.s32 $0x2B80  }
0xf2: {  	[tilespmem:s31], [sflag:$0x5] =	stream.indirect_vreg.gather [hbm4b:s5+s2], $0x80, v18, vm0, $0xb8;
	[tilespmem:$0x4100] =	vst v63  }
0xf3: {  	v63 =	vperm.xlane v17, v11;
	s30 =	simm.s32 $0x2C00;
	v18 =	vadd.s32 v3, v62  }
0xf4: {  	[tilespmem:s30], [sflag:$0x5] =	stream.indirect_vreg.gather [hbm4b:s5+s2], $0x80, v19, vm0, $0xb8;
	[tilespmem:$0x4100] =	vst v63  }
0xf5: {  	v24 =	vperm.xlane v17, v12;
	s31 =	simm.s32 $0x2C80;
	v19 =	vadd.s32 v3, v63  }
0xf6: {  	[tilespmem:s31], [sflag:$0x5] =	stream.indirect_vreg.gather [hbm4b:s5+s2], $0x80, v61, vm0, $0xb8;
	[tilespmem:$0x4100] =	vst v63  }
0xf7: {  	v26 =	vperm.xlane v17, v13;
	v25 =	vadd.s32 v3, v24;
	s30 =	simm.s32 $0x2D00  }
0xf8: {  	[tilespmem:s30], [sflag:$0x5] =	stream.indirect_vreg.gather [hbm4b:s5+s2], $0x80, v18, vm0, $0xb8;
	[tilespmem:$0x4100] =	vst v63  }
0xf9: {  	v27 =	vperm.xlane v17, v14;
	s31 =	simm.s32 $0x2D80;
	v18 =	vadd.s32 v3, v26  }
0xfa: {  	[tilespmem:s31], [sflag:$0x5] =	stream.indirect_vreg.gather [hbm4b:s5+s2], $0x80, v19, vm0, $0xb8;
	[tilespmem:$0x4100] =	vst v63  }
0xfb: {  	v28 =	vperm.xlane v17, v15;
	s30 =	simm.s32 $0x2E00;
	v19 =	vadd.s32 v3, v27  }
0xfc: {  	[tilespmem:s30], [sflag:$0x5] =	stream.indirect_vreg.gather [hbm4b:s5+s2], $0x80, v25, vm0, $0xb8;
	[tilespmem:$0x4100] =	vst v63  }
0xfd: {  	v17 =	vperm.xlane v17, v16;
	v29 =	vadd.s32 v3, v28;
	s31 =	simm.s32 $0x2E80  }
0xfe: {  	[tilespmem:s31], [sflag:$0x5] =	stream.indirect_vreg.gather [hbm4b:s5+s2], $0x80, v18, vm0, $0xb8;
	[tilespmem:$0x4100] =	vst v63  }
0xff: {  	v17 =	vadd.s32 v3, v17;
	s30 =	simm.s32 $0x2F00  }
0x100: {  	[tilespmem:s30], [sflag:$0x5] =	stream.indirect_vreg.gather [hbm4b:s5+s2], $0x80, v19, vm0, $0xb8;
	[tilespmem:$0x4100] =	vst v63  }
0x101: {  	s31 =	simm.s32 $0x2F80  }
0x102: {  	[tilespmem:s31], [sflag:$0x5] =	stream.indirect_vreg.gather [hbm4b:s5+s2], $0x80, v29, vm0, $0xb8;
	[tilespmem:$0x4100] =	vst v63  }
0x103: {  	s30 =	simm.s32 $0x3000  }
0x104: {  	[tilespmem:s30], [sflag:$0x5] =	stream.indirect_vreg.gather [hbm4b:s5+s2], $0x80, v17, vm0, $0xb8;
	[tilespmem:$0x4100] =	vst v63  }
0x105: {  	v17 =	vld [tilespmem:$0x60];
	_ =	sdelay $0x4  }
0x106: {  	v18 =	vshll.u32 v17, $0x5  }
0x107: {  	v17 =	vand.u32 $0x7, v17;
	v18 =	vand.u32 $0xFFFFFF00, v18  }
0x108: {  	v17 =	vor.u32 v17, v18  }
0x109: {  	v18 =	vperm.xlane v17, v2;
	_ =	sdelay $0x1  }
0x10a: {  	v19 =	vperm.xlane v17, v4;
	v18 =	vadd.s32 v3, v18;
	_ =	sdelay $0x1  }
0x10b: {  	v30 =	vperm.xlane v17, v5;
	v19 =	vadd.s32 v3, v19;
	_ =	sdelay $0x1  }
0x10c: {  	s31 =	simm.s32 $0x3080;
	v31 =	vperm.xlane v17, v6;
	v20 =	vadd.s32 v3, v30  }
0x10d: {  	[tilespmem:s31], [sflag:$0x6] =	stream.indirect_vreg.gather [hbm4b:s5+s2], $0x80, v18, vm0, $0xb8;
	[tilespmem:$0x4100] =	vst v63  }
0x10e: {  	s30 =	simm.s32 $0x3100;
	v32 =	vperm.xlane v17, v7;
	v18 =	vadd.s32 v3, v31  }
0x10f: {  	[tilespmem:s30], [sflag:$0x6] =	stream.indirect_vreg.gather [hbm4b:s5+s2], $0x80, v19, vm0, $0xb8;
	[tilespmem:$0x4100] =	vst v63  }
0x110: {  	v33 =	vperm.xlane v17, v1;
	s31 =	simm.s32 $0x3180;
	v19 =	vadd.s32 v3, v32  }
0x111: {  	[tilespmem:s31], [sflag:$0x6] =	stream.indirect_vreg.gather [hbm4b:s5+s2], $0x80, v20, vm0, $0xb8;
	[tilespmem:$0x4100] =	vst v63  }
0x112: {  	v35 =	vperm.xlane v17, v8;
	v34 =	vadd.s32 v3, v33;
	s30 =	simm.s32 $0x3200  }
0x113: {  	[tilespmem:s30], [sflag:$0x6] =	stream.indirect_vreg.gather [hbm4b:s5+s2], $0x80, v18, vm0, $0xb8;
	[tilespmem:$0x4100] =	vst v63  }
0x114: {  	v36 =	vperm.xlane v17, v0;
	s31 =	simm.s32 $0x3280;
	v18 =	vadd.s32 v3, v35  }
0x115: {  	[tilespmem:s31], [sflag:$0x6] =	stream.indirect_vreg.gather [hbm4b:s5+s2], $0x80, v19, vm0, $0xb8;
	[tilespmem:$0x4100] =	vst v63  }
0x116: {  	v37 =	vperm.xlane v17, v9;
	s30 =	simm.s32 $0x3300;
	v19 =	vadd.s32 v3, v36  }
0x117: {  	[tilespmem:s30], [sflag:$0x6] =	stream.indirect_vreg.gather [hbm4b:s5+s2], $0x80, v34, vm0, $0xb8;
	[tilespmem:$0x4100] =	vst v63  }
0x118: {  	v39 =	vperm.xlane v17, v10;
	v38 =	vadd.s32 v3, v37;
	s31 =	simm.s32 $0x3380  }
0x119: {  	[tilespmem:s31], [sflag:$0x6] =	stream.indirect_vreg.gather [hbm4b:s5+s2], $0x80, v18, vm0, $0xb8;
	[tilespmem:$0x4100] =	vst v63  }
0x11a: {  	v40 =	vperm.xlane v17, v11;
	s30 =	simm.s32 $0x3400;
	v18 =	vadd.s32 v3, v39  }
0x11b: {  	[tilespmem:s30], [sflag:$0x6] =	stream.indirect_vreg.gather [hbm4b:s5+s2], $0x80, v19, vm0, $0xb8;
	[tilespmem:$0x4100] =	vst v63  }
0x11c: {  	v41 =	vperm.xlane v17, v12;
	s31 =	simm.s32 $0x3480;
	v19 =	vadd.s32 v3, v40  }
0x11d: {  	[tilespmem:s31], [sflag:$0x6] =	stream.indirect_vreg.gather [hbm4b:s5+s2], $0x80, v38, vm0, $0xb8;
	[tilespmem:$0x4100] =	vst v63  }
0x11e: {  	v43 =	vperm.xlane v17, v13;
	v42 =	vadd.s32 v3, v41;
	s30 =	simm.s32 $0x3500  }
0x11f: {  	[tilespmem:s30], [sflag:$0x6] =	stream.indirect_vreg.gather [hbm4b:s5+s2], $0x80, v18, vm0, $0xb8;
	[tilespmem:$0x4100] =	vst v63  }
0x120: {  	v44 =	vperm.xlane v17, v14;
	s31 =	simm.s32 $0x3580;
	v18 =	vadd.s32 v3, v43  }
0x121: {  	[tilespmem:s31], [sflag:$0x6] =	stream.indirect_vreg.gather [hbm4b:s5+s2], $0x80, v19, vm0, $0xb8;
	[tilespmem:$0x4100] =	vst v63  }
0x122: {  	v45 =	vperm.xlane v17, v15;
	s30 =	simm.s32 $0x3600;
	v19 =	vadd.s32 v3, v44  }
0x123: {  	[tilespmem:s30], [sflag:$0x6] =	stream.indirect_vreg.gather [hbm4b:s5+s2], $0x80, v42, vm0, $0xb8;
	[tilespmem:$0x4100] =	vst v63  }
0x124: {  	v17 =	vperm.xlane v17, v16;
	v46 =	vadd.s32 v3, v45;
	s31 =	simm.s32 $0x3680  }
0x125: {  	[tilespmem:s31], [sflag:$0x6] =	stream.indirect_vreg.gather [hbm4b:s5+s2], $0x80, v18, vm0, $0xb8;
	[tilespmem:$0x4100] =	vst v63  }
0x126: {  	v17 =	vadd.s32 v3, v17;
	s30 =	simm.s32 $0x3700  }
0x127: {  	[tilespmem:s30], [sflag:$0x6] =	stream.indirect_vreg.gather [hbm4b:s5+s2], $0x80, v19, vm0, $0xb8;
	[tilespmem:$0x4100] =	vst v63  }
0x128: {  	s31 =	simm.s32 $0x3780  }
0x129: {  	[tilespmem:s31], [sflag:$0x6] =	stream.indirect_vreg.gather [hbm4b:s5+s2], $0x80, v46, vm0, $0xb8;
	[tilespmem:$0x4100] =	vst v63  }
0x12a: {  	s30 =	simm.s32 $0x3800  }
0x12b: {  	[tilespmem:s30], [sflag:$0x6] =	stream.indirect_vreg.gather [hbm4b:s5+s2], $0x80, v17, vm0, $0xb8;
	[tilespmem:$0x4100] =	vst v63  }
0x12c: {  	v17 =	vld [tilespmem:$0x70];
	_ =	sdelay $0x4  }
0x12d: {  	v18 =	vshll.u32 v17, $0x5  }
0x12e: {  	v17 =	vand.u32 $0x7, v17;
	v18 =	vand.u32 $0xFFFFFF00, v18  }
0x12f: {  	v17 =	vor.u32 v17, v18  }
0x130: {  	v18 =	vperm.xlane v17, v2;
	_ =	sdelay $0x1  }
0x131: {  	v19 =	vperm.xlane v17, v4;
	v18 =	vadd.s32 v3, v18;
	_ =	sdelay $0x1  }
0x132: {  	v47 =	vperm.xlane v17, v5;
	v19 =	vadd.s32 v3, v19;
	_ =	sdelay $0x1  }
0x133: {  	s31 =	simm.s32 $0x3880;
	v48 =	vperm.xlane v17, v6;
	v20 =	vadd.s32 v3, v47  }
0x134: {  	[tilespmem:s31], [sflag:$0x6] =	stream.indirect_vreg.gather [hbm4b:s5+s2], $0x80, v18, vm0, $0xb8;
	[tilespmem:$0x4100] =	vst v63  }
0x135: {  	s30 =	simm.s32 $0x3900;
	v49 =	vperm.xlane v17, v7;
	v18 =	vadd.s32 v3, v48  }
0x136: {  	[tilespmem:s30], [sflag:$0x6] =	stream.indirect_vreg.gather [hbm4b:s5+s2], $0x80, v19, vm0, $0xb8;
	[tilespmem:$0x4100] =	vst v63  }
0x137: {  	v50 =	vperm.xlane v17, v1;
	s31 =	simm.s32 $0x3980;
	v19 =	vadd.s32 v3, v49  }
0x138: {  	[tilespmem:s31], [sflag:$0x6] =	stream.indirect_vreg.gather [hbm4b:s5+s2], $0x80, v20, vm0, $0xb8;
	[tilespmem:$0x4100] =	vst v63  }
0x139: {  	v52 =	vperm.xlane v17, v8;
	v51 =	vadd.s32 v3, v50  }
0x13a: {  	[tilespmem:s1], [sflag:$0x6] =	stream.indirect_vreg.gather [hbm4b:s5+s2], $0x80, v18, vm0, $0xb8;
	[tilespmem:$0x4100] =	vst v63  }
0x13b: {  	v53 =	vperm.xlane v17, v0;
	v18 =	vadd.s32 v3, v52  }
0x13c: {  	[tilespmem:s8], [sflag:$0x6] =	stream.indirect_vreg.gather [hbm4b:s5+s2], $0x80, v19, vm0, $0xb8;
	[tilespmem:$0x4100] =	vst v63  }
0x13d: {  	v54 =	vperm.xlane v17, v9;
	v19 =	vadd.s32 v3, v53  }
0x13e: {  	[tilespmem:s10], [sflag:$0x6] =	stream.indirect_vreg.gather [hbm4b:s5+s2], $0x80, v51, vm0, $0xb8;
	[tilespmem:$0x4100] =	vst v63  }
0x13f: {  	v56 =	vperm.xlane v17, v10;
	v55 =	vadd.s32 v3, v54  }
0x140: {  	[tilespmem:s11], [sflag:$0x6] =	stream.indirect_vreg.gather [hbm4b:s5+s2], $0x80, v18, vm0, $0xb8;
	[tilespmem:$0x4100] =	vst v63  }
0x141: {  	v57 =	vperm.xlane v17, v11;
	v18 =	vadd.s32 v3, v56  }
0x142: {  	[tilespmem:s12], [sflag:$0x6] =	stream.indirect_vreg.gather [hbm4b:s5+s2], $0x80, v19, vm0, $0xb8;
	[tilespmem:$0x4100] =	vst v63  }
0x143: {  	v58 =	vperm.xlane v17, v12;
	v19 =	vadd.s32 v3, v57  }
0x144: {  	[tilespmem:s13], [sflag:$0x6] =	stream.indirect_vreg.gather [hbm4b:s5+s2], $0x80, v55, vm0, $0xb8;
	[tilespmem:$0x4100] =	vst v63  }
0x145: {  	v60 =	vperm.xlane v17, v13;
	v59 =	vadd.s32 v3, v58  }
0x146: {  	[tilespmem:s14], [sflag:$0x6] =	stream.indirect_vreg.gather [hbm4b:s5+s2], $0x80, v18, vm0, $0xb8;
	[tilespmem:$0x4100] =	vst v63  }
0x147: {  	v61 =	vperm.xlane v17, v14;
	v18 =	vadd.s32 v3, v60  }
0x148: {  	[tilespmem:s15], [sflag:$0x6] =	stream.indirect_vreg.gather [hbm4b:s5+s2], $0x80, v19, vm0, $0xb8;
	[tilespmem:$0x4100] =	vst v63  }
0x149: {  	v62 =	vperm.xlane v17, v15;
	v19 =	vadd.s32 v3, v61  }
0x14a: {  	[tilespmem:s16], [sflag:$0x6] =	stream.indirect_vreg.gather [hbm4b:s5+s2], $0x80, v59, vm0, $0xb8;
	[tilespmem:$0x4100] =	vst v63  }
0x14b: {  	v17 =	vperm.xlane v17, v16;
	v63 =	vadd.s32 v3, v62  }
0x14c: {  	[tilespmem:s17], [sflag:$0x6] =	stream.indirect_vreg.gather [hbm4b:s5+s2], $0x80, v18, vm0, $0xb8;
	[tilespmem:$0x4100] =	vst v63  }
0x14d: {  	v17 =	vadd.s32 v3, v17  }
0x14e: {  	[tilespmem:s18], [sflag:$0x6] =	stream.indirect_vreg.gather [hbm4b:s5+s2], $0x80, v19, vm0, $0xb8;
	[tilespmem:$0x4100] =	vst v63  }
0x14f: {  	_ = 	snop  }
0x150: {  	[tilespmem:s19], [sflag:$0x6] =	stream.indirect_vreg.gather [hbm4b:s5+s2], $0x80, v63, vm0, $0xb8;
	[tilespmem:$0x4100] =	vst v63  }
0x151: {  	_ = 	snop  }
0x152: {  	[tilespmem:s20], [sflag:$0x6] =	stream.indirect_vreg.gather [hbm4b:s5+s2], $0x80, v17, vm0, $0xb8;
	[tilespmem:$0x4100] =	vst v63  }
0x153: {  	_ =	swait.ge [sflag:s21], $0x1000  }
0x154: {  	v18 =	vld [tilespmem:$0x1FFF0];
	_ =	sdelay $0x3  }
0x155: {  	[sflag:s21] =	ssyncset.done $0x0  }
0x156: {  	p0 =	por $0x1, $0x1;
	s0 =	simm.s32 $0x0;
	v17 =	vimm.f32 $0.0e+00;
	[sflag:s21] =	ssyncadd.s32 $0xFFFFF000;
	vm3 =	vnez.u8 v18  }
.LBB2_2:
0x157: {  	s30 =	sshll.u32 s0, $0xB  }
0x158: {  	s31 =	sshll.u32 s0, $0x4;
	s30 =	sand.u32 $0x3FFFF800, s30  }
0x159: {  	s30 =	sadd.s32 s31, s30  }
0x15a: {  	v18 =	vld [tilespmem:s30+$0x80];
	_ =	sdelay $0x1  }
0x15b: {  	v19 =	vld [tilespmem:s30+$0x100];
	_ =	sdelay $0x1  }
0x15c: {  	v20 =	vld [tilespmem:s30+$0x180]  }
0x15d: {  	v18 =	vnsel vm0, $0x0, v18  }
0x15e: {  	v21 =	vld [tilespmem:s30+$0x200];
	v18 =	vadd.f32 $0.0e+00, v18  }
0x15f: {  	v19 =	vsel vm1, $0x0, v19  }
0x160: {  	vm2 =	vcmask $0x70C;
	v18 =	vadd.f32 v19, v18;
	v19 =	vld [tilespmem:s30+$0x280]  }
0x161: {  	v20 =	vsel vm2, $0x0, v20  }
0x162: {  	v55 =	vld [tilespmem:s30+$0x300];
	v18 =	vadd.f32 v20, v18  }
0x163: {  	v21 =	vsel vm4, $0x0, v21  }
0x164: {  	v56 =	vld [tilespmem:s30+$0x380];
	v18 =	vadd.f32 v21, v18  }
0x165: {  	v19 =	vsel vm5, $0x0, v19  }
0x166: {  	v18 =	vadd.f32 v19, v18;
	v19 =	vld [tilespmem:s30+$0x400]  }
0x167: {  	v20 =	vsel vm6, $0x0, v55  }
0x168: {  	v57 =	vld [tilespmem:s30+$0x480];
	v18 =	vadd.f32 v20, v18  }
0x169: {  	v21 =	vsel vm7, $0x0, v56  }
0x16a: {  	v58 =	vld [tilespmem:s30+$0x500];
	v18 =	vadd.f32 v21, v18  }
0x16b: {  	v19 =	vsel vm8, $0x0, v19  }
0x16c: {  	v18 =	vadd.f32 v19, v18;
	v19 =	vld [tilespmem:s30+$0x580]  }
0x16d: {  	v20 =	vsel vm9, $0x0, v57  }
0x16e: {  	v59 =	vld [tilespmem:s30+$0x600];
	v18 =	vadd.f32 v20, v18  }
0x16f: {  	v21 =	vsel vm10, $0x0, v58  }
0x170: {  	v60 =	vld [tilespmem:s30+$0x680];
	v18 =	vadd.f32 v21, v18  }
0x171: {  	v19 =	vsel vm11, $0x0, v19  }
0x172: {  	v18 =	vadd.f32 v19, v18;
	v19 =	vld [tilespmem:s30+$0x700]  }
0x173: {  	v20 =	vsel vm12, $0x0, v59  }
0x174: {  	v61 =	vld [tilespmem:s30+$0x780];
	v18 =	vadd.f32 v20, v18  }
0x175: {  	v21 =	vsel vm13, $0x0, v60  }
0x176: {  	v62 =	vld [tilespmem:s30+$0x800];
	v18 =	vadd.f32 v21, v18  }
0x177: {  	v19 =	vsel vm14, $0x0, v19  }
0x178: {  	v18 =	vadd.f32 v19, v18;
	v19 =	vld [tilespmem:s31+$0x0]  }
0x179: {  	v20 =	vsel vm15, $0x0, v61  }
0x17a: {  	p1 =	por p0, p0;
	v18 =	vadd.f32 v20, v18  }
.Ltmp0:
0x17b: {  	v63 =	vsel vm3, $0x0, v62;
	(pc) =	sbr.rel @p1 .LBB2_2-.Ltmp0, $4  }
0x17c: {  	v18 =	vadd.f32 v63, v18  }
0x17d: {  	vm2 =	vmmov vm1;
	vm1 =	vgt.s32 v19, $0x0  }
0x17e: {  	v18 =	vnsel vm1, $0x0, v18  }
0x17f: {  	s0 =	simm.s32 $0x1;
	p0 =	por $0x0, $0x0;
	vm1 =	vmmov vm2;
	v17 =	vadd.f32 v18, v17  }
0x180: {  	_ =	swait.ge [sflag:s22], $0x1000  }
0x181: {  	s30 =	simm.s32 $0x20;
	[sflag:s22] =	ssyncset.done $0x0  }
0x182: {  	s31 =	simm.s32 $0x1820;
	s0 =	simm.s32 $0x20;
	[sflag:s22] =	ssyncadd.s32 $0xFFFFF000  }
.LBB2_4:
0x183: {  	v18 =	vld [tilespmem:s31+$0xFFFFF880];
	_ =	sdelay $0x1  }
0x184: {  	v19 =	vld [tilespmem:s31+$0xFFFFF900];
	_ =	sdelay $0x1  }
0x185: {  	v20 =	vld [tilespmem:s31+$0xFFFFF980]  }
0x186: {  	v18 =	vnsel vm0, $0x0, v18  }
0x187: {  	v21 =	vld [tilespmem:s31+$0xFFFFFA00];
	v18 =	vadd.f32 $0.0e+00, v18  }
0x188: {  	v19 =	vsel vm1, $0x0, v19  }
0x189: {  	vm1 =	vcmask $0x70C;
	v18 =	vadd.f32 v19, v18;
	v19 =	vld [tilespmem:s31+$0xFFFFFA80]  }
0x18a: {  	v20 =	vsel vm1, $0x0, v20  }
0x18b: {  	v55 =	vld [tilespmem:s31+$0xFFFFFB00];
	v18 =	vadd.f32 v20, v18  }
0x18c: {  	v21 =	vsel vm4, $0x0, v21  }
0x18d: {  	v56 =	vld [tilespmem:s31+$0xFFFFFB80];
	v18 =	vadd.f32 v21, v18  }
0x18e: {  	v19 =	vsel vm5, $0x0, v19  }
0x18f: {  	v18 =	vadd.f32 v19, v18;
	v19 =	vld [tilespmem:s31+$0xFFFFFC00]  }
0x190: {  	v20 =	vsel vm6, $0x0, v55  }
0x191: {  	v57 =	vld [tilespmem:s31+$0xFFFFFC80];
	v18 =	vadd.f32 v20, v18  }
0x192: {  	v21 =	vsel vm7, $0x0, v56  }
0x193: {  	v58 =	vld [tilespmem:s31+$0xFFFFFD00];
	v18 =	vadd.f32 v21, v18  }
0x194: {  	v19 =	vsel vm8, $0x0, v19  }
0x195: {  	v18 =	vadd.f32 v19, v18;
	v19 =	vld [tilespmem:s31+$0xFFFFFD80]  }
0x196: {  	v20 =	vsel vm9, $0x0, v57  }
0x197: {  	v59 =	vld [tilespmem:s31+$0xFFFFFE00];
	v18 =	vadd.f32 v20, v18  }
0x198: {  	v21 =	vsel vm10, $0x0, v58  }
0x199: {  	v60 =	vld [tilespmem:s31+$0xFFFFFE80];
	v18 =	vadd.f32 v21, v18  }
0x19a: {  	v19 =	vsel vm11, $0x0, v19  }
0x19b: {  	v18 =	vadd.f32 v19, v18;
	v19 =	vld [tilespmem:s31+$0xFFFFFF00]  }
0x19c: {  	v20 =	vsel vm12, $0x0, v59  }
0x19d: {  	v61 =	vld [tilespmem:s31+$0xFFFFFF80];
	v18 =	vadd.f32 v20, v18  }
0x19e: {  	v21 =	vsel vm13, $0x0, v60  }
0x19f: {  	v62 =	vld [tilespmem:s31+$0x0];
	v18 =	vadd.f32 v21, v18  }
0x1a0: {  	v19 =	vsel vm14, $0x0, v19  }
0x1a1: {  	v18 =	vadd.f32 v19, v18;
	v19 =	vld [tilespmem:s30+$0x0]  }
0x1a2: {  	v20 =	vsel vm15, $0x0, v61  }
0x1a3: {  	p0 =	sne.s32 s0, $0x30;
	v18 =	vadd.f32 v20, v18  }
.Ltmp1:
0x1a4: {  	v63 =	vsel vm3, $0x0, v62;
	(pc) =	sbr.rel @p0 .LBB2_4-.Ltmp1, $4  }
0x1a5: {  	v18 =	vadd.f32 v63, v18  }
0x1a6: {  	vm1 =	vgt.s32 v19, $0x0  }
0x1a7: {  	v18 =	vnsel vm1, $0x0, v18  }
0x1a8: {  	s0 =	sadd.s32 $0x10, s0;
	s31 =	sadd.s32 $0x810, s31;
	s30 =	sadd.s32 $0x10, s30;
	vm1 =	vmmov vm2;
	v17 =	vadd.f32 v18, v17  }
0x1a9: {  	_ =	swait.ge [sflag:s23], $0x1000  }
0x1aa: {  	s30 =	simm.s32 $0x40;
	[sflag:s23] =	ssyncset.done $0x0  }
0x1ab: {  	s31 =	simm.s32 $0x2840;
	s0 =	simm.s32 $0x40;
	[sflag:s23] =	ssyncadd.s32 $0xFFFFF000  }
.LBB2_6:
0x1ac: {  	v18 =	vld [tilespmem:s31+$0xFFFFF880];
	_ =	sdelay $0x1  }
0x1ad: {  	v19 =	vld [tilespmem:s31+$0xFFFFF900];
	_ =	sdelay $0x1  }
0x1ae: {  	v20 =	vld [tilespmem:s31+$0xFFFFF980]  }
0x1af: {  	v18 =	vnsel vm0, $0x0, v18  }
0x1b0: {  	v21 =	vld [tilespmem:s31+$0xFFFFFA00];
	v18 =	vadd.f32 $0.0e+00, v18  }
0x1b1: {  	v19 =	vsel vm1, $0x0, v19  }
0x1b2: {  	vm1 =	vcmask $0x70C;
	v18 =	vadd.f32 v19, v18;
	v19 =	vld [tilespmem:s31+$0xFFFFFA80]  }
0x1b3: {  	v20 =	vsel vm1, $0x0, v20  }
0x1b4: {  	v55 =	vld [tilespmem:s31+$0xFFFFFB00];
	v18 =	vadd.f32 v20, v18  }
0x1b5: {  	v21 =	vsel vm4, $0x0, v21  }
0x1b6: {  	v56 =	vld [tilespmem:s31+$0xFFFFFB80];
	v18 =	vadd.f32 v21, v18  }
0x1b7: {  	v19 =	vsel vm5, $0x0, v19  }
0x1b8: {  	v18 =	vadd.f32 v19, v18;
	v19 =	vld [tilespmem:s31+$0xFFFFFC00]  }
0x1b9: {  	v20 =	vsel vm6, $0x0, v55  }
0x1ba: {  	v57 =	vld [tilespmem:s31+$0xFFFFFC80];
	v18 =	vadd.f32 v20, v18  }
0x1bb: {  	v21 =	vsel vm7, $0x0, v56  }
0x1bc: {  	v58 =	vld [tilespmem:s31+$0xFFFFFD00];
	v18 =	vadd.f32 v21, v18  }
0x1bd: {  	v19 =	vsel vm8, $0x0, v19  }
0x1be: {  	v18 =	vadd.f32 v19, v18;
	v19 =	vld [tilespmem:s31+$0xFFFFFD80]  }
0x1bf: {  	v20 =	vsel vm9, $0x0, v57  }
0x1c0: {  	v59 =	vld [tilespmem:s31+$0xFFFFFE00];
	v18 =	vadd.f32 v20, v18  }
0x1c1: {  	v21 =	vsel vm10, $0x0, v58  }
0x1c2: {  	v60 =	vld [tilespmem:s31+$0xFFFFFE80];
	v18 =	vadd.f32 v21, v18  }
0x1c3: {  	v19 =	vsel vm11, $0x0, v19  }
0x1c4: {  	v18 =	vadd.f32 v19, v18;
	v19 =	vld [tilespmem:s31+$0xFFFFFF00]  }
0x1c5: {  	v20 =	vsel vm12, $0x0, v59  }
0x1c6: {  	v61 =	vld [tilespmem:s31+$0xFFFFFF80];
	v18 =	vadd.f32 v20, v18  }
0x1c7: {  	v21 =	vsel vm13, $0x0, v60  }
0x1c8: {  	v62 =	vld [tilespmem:s31+$0x0];
	v18 =	vadd.f32 v21, v18  }
0x1c9: {  	v19 =	vsel vm14, $0x0, v19  }
0x1ca: {  	v18 =	vadd.f32 v19, v18;
	v19 =	vld [tilespmem:s30+$0x0]  }
0x1cb: {  	v20 =	vsel vm15, $0x0, v61  }
0x1cc: {  	p0 =	sne.s32 s0, $0x50;
	v18 =	vadd.f32 v20, v18  }
.Ltmp2:
0x1cd: {  	v63 =	vsel vm3, $0x0, v62;
	(pc) =	sbr.rel @p0 .LBB2_6-.Ltmp2, $4  }
0x1ce: {  	v18 =	vadd.f32 v63, v18  }
0x1cf: {  	vm1 =	vgt.s32 v19, $0x0  }
0x1d0: {  	v18 =	vnsel vm1, $0x0, v18  }
0x1d1: {  	s0 =	sadd.s32 $0x10, s0;
	s31 =	sadd.s32 $0x810, s31;
	s30 =	sadd.s32 $0x10, s30;
	vm1 =	vmmov vm2;
	v17 =	vadd.f32 v18, v17  }
0x1d2: {  	_ =	swait.ge [sflag:s24], $0x1000  }
0x1d3: {  	s30 =	simm.s32 $0x60;
	[sflag:s24] =	ssyncset.done $0x0  }
0x1d4: {  	s31 =	simm.s32 $0x3860;
	s0 =	simm.s32 $0x60;
	[sflag:s24] =	ssyncadd.s32 $0xFFFFF000  }
.LBB2_8:
0x1d5: {  	v18 =	vld [tilespmem:s31+$0xFFFFF880];
	_ =	sdelay $0x1  }
0x1d6: {  	v19 =	vld [tilespmem:s31+$0xFFFFF900];
	_ =	sdelay $0x1  }
0x1d7: {  	v20 =	vld [tilespmem:s31+$0xFFFFF980]  }
0x1d8: {  	v18 =	vnsel vm0, $0x0, v18  }
0x1d9: {  	v21 =	vld [tilespmem:s31+$0xFFFFFA00];
	v18 =	vadd.f32 $0.0e+00, v18  }
0x1da: {  	v19 =	vsel vm1, $0x0, v19  }
0x1db: {  	vm1 =	vcmask $0x70C;
	v18 =	vadd.f32 v19, v18;
	v19 =	vld [tilespmem:s31+$0xFFFFFA80]  }
0x1dc: {  	v20 =	vsel vm1, $0x0, v20  }
0x1dd: {  	v55 =	vld [tilespmem:s31+$0xFFFFFB00];
	v18 =	vadd.f32 v20, v18  }
0x1de: {  	v21 =	vsel vm4, $0x0, v21  }
0x1df: {  	v56 =	vld [tilespmem:s31+$0xFFFFFB80];
	v18 =	vadd.f32 v21, v18  }
0x1e0: {  	v19 =	vsel vm5, $0x0, v19  }
0x1e1: {  	v18 =	vadd.f32 v19, v18;
	v19 =	vld [tilespmem:s31+$0xFFFFFC00]  }
0x1e2: {  	v20 =	vsel vm6, $0x0, v55  }
0x1e3: {  	v57 =	vld [tilespmem:s31+$0xFFFFFC80];
	v18 =	vadd.f32 v20, v18  }
0x1e4: {  	v21 =	vsel vm7, $0x0, v56  }
0x1e5: {  	v58 =	vld [tilespmem:s31+$0xFFFFFD00];
	v18 =	vadd.f32 v21, v18  }
0x1e6: {  	v19 =	vsel vm8, $0x0, v19  }
0x1e7: {  	v18 =	vadd.f32 v19, v18;
	v19 =	vld [tilespmem:s31+$0xFFFFFD80]  }
0x1e8: {  	v20 =	vsel vm9, $0x0, v57  }
0x1e9: {  	v59 =	vld [tilespmem:s31+$0xFFFFFE00];
	v18 =	vadd.f32 v20, v18  }
0x1ea: {  	v21 =	vsel vm10, $0x0, v58  }
0x1eb: {  	v60 =	vld [tilespmem:s31+$0xFFFFFE80];
	v18 =	vadd.f32 v21, v18  }
0x1ec: {  	v19 =	vsel vm11, $0x0, v19  }
0x1ed: {  	v18 =	vadd.f32 v19, v18;
	v19 =	vld [tilespmem:s31+$0xFFFFFF00]  }
0x1ee: {  	v20 =	vsel vm12, $0x0, v59  }
0x1ef: {  	v61 =	vld [tilespmem:s31+$0xFFFFFF80];
	v18 =	vadd.f32 v20, v18  }
0x1f0: {  	v21 =	vsel vm13, $0x0, v60  }
0x1f1: {  	v62 =	vld [tilespmem:s31+$0x0];
	v18 =	vadd.f32 v21, v18  }
0x1f2: {  	v19 =	vsel vm14, $0x0, v19  }
0x1f3: {  	v18 =	vadd.f32 v19, v18;
	v19 =	vld [tilespmem:s30+$0x0]  }
0x1f4: {  	v20 =	vsel vm15, $0x0, v61  }
0x1f5: {  	p0 =	sne.s32 s0, $0x70;
	v18 =	vadd.f32 v20, v18  }
.Ltmp3:
0x1f6: {  	v63 =	vsel vm3, $0x0, v62;
	(pc) =	sbr.rel @p0 .LBB2_8-.Ltmp3, $4  }
0x1f7: {  	v18 =	vadd.f32 v63, v18  }
0x1f8: {  	vm1 =	vgt.s32 v19, $0x0  }
0x1f9: {  	v18 =	vnsel vm1, $0x0, v18  }
0x1fa: {  	s0 =	sadd.s32 $0x10, s0;
	s31 =	sadd.s32 $0x810, s31;
	s30 =	sadd.s32 $0x10, s30;
	vm1 =	vmmov vm2;
	v17 =	vadd.f32 v18, v17  }
0x1fb: {  	s29 =	sadd.s32 $0x1, s29  }
0x1fc: {  	p0 =	sne.s32 s29, s7  }
.Ltmp4:
0x1fd: {  	[tilespmem:$0x4080] =	vst v17;
	(pc) =	sbr.rel @p0 .LBB2_1-.Ltmp4, $4  }
0x1fe: {  	[hbm4b:s6+s2] =	stream.linear.scatter [tilespmem:s25], [sflag:$0x7], $0x10, $0x38;
	[tilespmem:$0x4100] =	vst v63  }
0x1ff: {  	_ =	swait.ge [sflag:s28], $0x10  }
0x200: {  	[sflag:s28] =	ssyncset.done $0x0  }
0x201: {  	[sflag:s28] =	ssyncadd.s32 $0xFFFFFFF0  }
0x202: {  	_ =	sfence.sel $0x180000  }
0x203: {  	[bflag:$0x0] =	sbarrier.arrive $0xFFFF  }
0x204: {  	_ =	strace $0x90000047  }
0x205: {  	s0 =	stileid.u32;
	[bflag:$0x2] =	sbarrier.arrive $0xFFFF  }
0x206: {  	p0 =	sne.s32 s0, $0x0;
	s0 =	rddreg [dreg:$0x3]  }
0x207: {  	s0 =	sadd.s32 @!p0 $0x100000, s0  }
0x208: {  	[sflag:s0] =	ssyncadd.tile.s32 @!p0 $0x1;
	_ =	shalt  }
.Lfunc_end2:
_tile_overlayer_lowered:
.L_overlay_start_2:
0x209: {  	(tag) =	ssettag $0x2  }
0x20a: {  	s0 =	rddreg [dreg:$0x0];
	s2 =	stileid.u32  }
0x20b: {  	s1 =	rddreg [dreg:$0x1];
	p0 =	sne.s32 s2, $0x0  }
0x20c: {  	s3 =	rddreg [dreg:$0x2];
	[bflag:$0x3] =	sbarrier.arrive $0xFFFF;
	s2 =	simm.s32 @!p0 $0x1C07  }
0x20d: {  	[timem:s3], [sflag:s2] =	dma.local @!p0 [hbm:s0], s1  }
0x20e: {  	s0 =	simm.s32 @!p0 $0x7  }
0x20f: {  	_ =	swait.ge @!p0 [sflag:s0], s1  }
0x210: {  	s1 =	ssub.s32 @!p0 $0x0, s1;
	[sflag:s0] =	ssyncset.done @!p0 $0x0  }
0x211: {  	[sflag:s0] =	ssyncadd.s32 @!p0 s1  }
0x212: {  	[bflag:$0x3] =	sbarrier.arrive $0xFFFF  }
0x213: {  	_ =	shalt  }

</sc_bundles>
